<compile_context>
chip_gen: v7x
topology: tpu7x:2x2x1
jax: 0.10.2.dev20260603
libtpu: 0.0.44.dev20260713+nightly
codegen_flags: <defaults>
</compile_context>

<pallas_src>
import functools

import jax
import jax.numpy as jnp
from jax import lax
from jax.experimental import pallas as pl
from jax.experimental.pallas import tpu as pltpu
from jax.experimental.pallas import tpu_sc as plsc

N = 10000
E = 320000
D = 128

NC = 2
NS = 16
NW = NC * NS

K = 128
RB = 512
B_FAST = 30
B_SLOW = 10
E_PER_W = B_FAST * RB
E_FAST = NS * B_FAST * RB
E_SLOW = NS * B_SLOW * RB
E_PAD = E_FAST + E_SLOW
N_PAD = 10240
STRIPE = N_PAD // NS
LANES = 16


def _sc_aggregate(feat_pad, src_r, dst_r, zblk, ones, zvec):
    mesh = plsc.VectorSubcoreMesh(core_axis_name="c", subcore_axis_name="s")

    @functools.partial(
        pl.kernel,
        mesh=mesh,
        out_type=[
            jax.ShapeDtypeStruct((NC, N_PAD, D), jnp.float32),
            jax.ShapeDtypeStruct((NC, N_PAD), jnp.float32),
        ],
        scratch_types=[
            pltpu.VMEM((RB,), jnp.int32),
            pltpu.VMEM((RB,), jnp.int32),
            pltpu.VMEM((RB,), jnp.int32),
            pltpu.VMEM((RB,), jnp.int32),
            pltpu.VMEM((K, D), jnp.float32),
            pltpu.VMEM((K, D), jnp.float32),
            pltpu.VMEM((RB,), jnp.float32),
            pltpu.VMEM((STRIPE,), jnp.float32),
            pltpu.VMEM_SHARED((N_PAD, D), jnp.float32),
            pltpu.VMEM_SHARED((N_PAD,), jnp.float32),
            pltpu.SemaphoreType.DMA,
            pltpu.SemaphoreType.DMA,
            pltpu.SemaphoreType.DMA,
            pltpu.SemaphoreType.DMA,
            pltpu.SemaphoreType.DMA,
            pltpu.SemaphoreType.DMA,
        ],
    )
    def agg(feat_hbm, src_hbm, dst_hbm, zblk_hbm, ones_hbm, zvec_hbm,
            q_hbm, pdeg_hbm,
            sidx0, sidx1, didx0, didx1, ra_v, rb_v, ones_v, zvec_v,
            accum_sh, deg_sh,
            sga, sgb, ssa, ssb, six, sdg):
        c = lax.axis_index("c")
        s = lax.axis_index("s")
        wid = c * NS + s

        pltpu.sync_copy(zblk_hbm, ra_v)
        pltpu.sync_copy(ones_hbm, ones_v)
        pltpu.sync_copy(zvec_hbm, zvec_v)
        base = s * STRIPE
        for b in range(STRIPE // K):
            pltpu.sync_copy(ra_v, accum_sh.at[pl.ds(base + b * K, K)])
        pltpu.sync_copy(zvec_v, deg_sh.at[pl.ds(base, STRIPE)])
        plsc.subcore_barrier()

        sidx = (sidx0, sidx1)
        didx = (didx0, didx1)
        bufs = (ra_v, rb_v)
        gsem = (sga, sgb)
        ssem = (ssa, ssb)

        def load_batch(tb, slot, sync):
            off = pl.ds(tb * RB, RB)
            if sync:
                pltpu.sync_copy(src_hbm.at[wid, off], sidx[slot])
                pltpu.sync_copy(dst_hbm.at[wid, off], didx[slot])
                return None
            return (pltpu.async_copy(src_hbm.at[wid, off], sidx[slot], six),
                    pltpu.async_copy(dst_hbm.at[wid, off], didx[slot], six))

        def run_batch(slot, prefetch_tb):
            dcp = pltpu.async_copy(ones_v, deg_sh.at[didx[slot]], sdg, add=True)
            pf = (load_batch(prefetch_tb, 1 - slot, sync=False)
                  if prefetch_tb is not None else None)

            def gather(k, w):
                return pltpu.async_copy(
                    feat_hbm.at[sidx[slot].at[pl.ds(k * K, K)]],
                    bufs[w], gsem[w])

            def scat(k, w):
                return pltpu.async_copy(
                    bufs[w],
                    accum_sh.at[didx[slot].at[pl.ds(k * K, K)]],
                    ssem[w], add=True)

            g0 = gather(0, 0)
            g1 = gather(1, 1)
            g0.wait()
            s0 = scat(0, 0)
            g1.wait()
            s1 = scat(1, 1)
            s0.wait()
            g2 = gather(2, 0)
            g2.wait()
            s2 = scat(2, 0)
            s1.wait()
            g3 = gather(3, 1)
            g3.wait()
            s3 = scat(3, 1)
            s2.wait()
            s3.wait()
            dcp.wait()
            return pf

        def batch_pair(t2, carry):
            tb0 = 2 * t2
            load_batch(tb0, 0, sync=True)
            pf = run_batch(0, tb0 + 1)
            for cp in pf:
                cp.wait()
            run_batch(1, None)
            return carry

        npairs = jnp.where(c == 0, B_FAST // 2, B_SLOW // 2)
        lax.fori_loop(0, npairs, batch_pair, 0)
        plsc.subcore_barrier()

        for b in range(STRIPE // K):
            pltpu.sync_copy(accum_sh.at[pl.ds(base + b * K, K)],
                            q_hbm.at[c, pl.ds(base + b * K, K)])
        pltpu.sync_copy(deg_sh.at[pl.ds(base, STRIPE)],
                        pdeg_hbm.at[c, pl.ds(base, STRIPE)])

    return agg(feat_pad, src_r, dst_r, zblk, ones, zvec)


def kernel(feat, edge_index, eps):
    src = edge_index[0]
    dst = edge_index[1]
    pad = E_PAD - E
    src_p = jnp.concatenate([src, jnp.zeros((pad,), jnp.int32)])
    dst_p = jnp.concatenate([dst, jnp.full((pad,), N, jnp.int32)])

    def split_rows(x, fill):
        fast = x[:E_FAST].reshape(NS, E_PER_W)
        slow = x[E_FAST:].reshape(NS, B_SLOW * RB)
        slow = jnp.concatenate(
            [slow, jnp.full((NS, (B_FAST - B_SLOW) * RB), fill, jnp.int32)],
            axis=1)
        return jnp.concatenate([fast, slow], axis=0)

    src_r = split_rows(src_p, 0)
    dst_r = split_rows(dst_p, N)
    feat_pad = jnp.concatenate(
        [feat, jnp.zeros((N_PAD - N, D), jnp.float32)], axis=0)

    q, pdeg = _sc_aggregate(feat_pad, src_r, dst_r,
                            jnp.zeros((K, D), jnp.float32),
                            jnp.ones((RB,), jnp.float32),
                            jnp.zeros((STRIPE,), jnp.float32))

    deg = pdeg[0] + pdeg[1]
    invb = jnp.broadcast_to(
        (1.0 / jnp.maximum(deg, 1.0))[:, None], (N_PAD, D))

    BLK = 512
    eps2 = jnp.reshape(eps, (1, 1)).astype(jnp.float32)

    def combine(eps_ref, feat_ref, q0_ref, q1_ref, inv_ref, out_ref):
        out_ref[...] = ((1.0 + eps_ref[0, 0]) * feat_ref[...]
                        + (q0_ref[0] + q1_ref[0]) * inv_ref[...])

    out = pl.pallas_call(
        combine,
        grid=(N_PAD // BLK,),
        in_specs=[
            pl.BlockSpec((1, 1), lambda i: (0, 0)),
            pl.BlockSpec((BLK, D), lambda i: (i, 0)),
            pl.BlockSpec((1, BLK, D), lambda i: (0, i, 0)),
            pl.BlockSpec((1, BLK, D), lambda i: (1, i, 0)),
            pl.BlockSpec((BLK, D), lambda i: (i, 0)),
        ],
        out_specs=pl.BlockSpec((BLK, D), lambda i: (i, 0)),
        out_shape=jax.ShapeDtypeStruct((N_PAD, D), jnp.float32),
    )(eps2, feat_pad, q, q, invb)
    return out[:N]

# --- scband reference (transcript-rebuilt; emitter-appended) ---
"""Pipeline reference for scband-ginconv-attn-20641612824581 (READ-ONLY COPY).

The authoritative reference and input builder live on the scoring server;
editing this copy changes nothing except your own understanding.
"""

import jax, jax.numpy as jnp
import numpy as np

N_NODES = 10000
N_EDGES = 320000
D_FEAT = 128


def setup_inputs(seed: int = 0) -> dict:
    key = jax.random.key(seed)
    k1, k2 = jax.random.split(key, 2)
    feat = jax.random.normal(k1, (N_NODES, D_FEAT), dtype=jnp.float32)
    edge_index = jax.random.randint(k2, (2, N_EDGES), 0, N_NODES, dtype=jnp.int32)
    # learnable epsilon (learn_eps=True, init_eps=0)
    eps = jnp.zeros((1,), dtype=jnp.float32)
    return {"feat": feat, "edge_index": edge_index, "eps": eps}


def reference(feat, edge_index, eps):
    # GINConv with attn_type='None', edge_weight=None, aggregator='mean',
    # apply_func=None, activation=None:
    #   neigh_i = mean_{j in N(i)} h_j   (copy_u + mean reduce)
    #   rst     = (1 + eps) * h_i + neigh_i
    src = edge_index[0]
    dst = edge_index[1]
    # message: gather source node features along edges (copy_u)
    msg = jnp.take(feat, src, axis=0)  # [E, D]
    # mean reduce by destination: segment_sum / in-degree (0 for isolated nodes, matching DGL)
    summed = jax.ops.segment_sum(msg, dst, num_segments=N_NODES)  # [N, D]
    deg = jax.ops.segment_sum(jnp.ones((N_EDGES,), dtype=feat.dtype), dst, num_segments=N_NODES)  # [N]
    neigh = summed / jnp.maximum(deg, 1.0)[:, None]
    rst = (1.0 + eps) * feat + neigh
    return rst

if __name__ == "__main__":
    import jax
    _d = setup_inputs()
    print(jax.jit(kernel)(*tuple(_d.values())))

</pallas_src>

<mosaic_0001>
#map = affine_map<(d0, d1) -> (0, 0)>
#map1 = affine_map<(d0, d1) -> (0)>
#map2 = affine_map<(d0, d1) -> (0, 0, 0)>
module attributes {stable_mosaic.version = 14 : i64} {
  func.func @agg(%arg0: i32, %arg1: i32, %arg2: memref<10240x128xf32, #tpu.memory_space<hbm>>, %arg3: memref<32x15360xi32, #tpu.memory_space<hbm>>, %arg4: memref<32x15360xi32, #tpu.memory_space<hbm>>, %arg5: memref<128x128xf32, #tpu.memory_space<hbm>>, %arg6: memref<512xf32, #tpu.memory_space<hbm>>, %arg7: memref<640xf32, #tpu.memory_space<hbm>>, %arg8: memref<2x10240x128xf32, #tpu.memory_space<hbm>>, %arg9: memref<2x10240xf32, #tpu.memory_space<hbm>>, %arg10: memref<512xi32, #tpu.memory_space<vmem>>, %arg11: memref<512xi32, #tpu.memory_space<vmem>>, %arg12: memref<512xi32, #tpu.memory_space<vmem>>, %arg13: memref<512xi32, #tpu.memory_space<vmem>>, %arg14: memref<128x128xf32, #tpu.memory_space<vmem>>, %arg15: memref<128x128xf32, #tpu.memory_space<vmem>>, %arg16: memref<512xf32, #tpu.memory_space<vmem>>, %arg17: memref<640xf32, #tpu.memory_space<vmem>>, %arg18: memref<10240x128xf32, #tpu.memory_space<vmem_shared>>, %arg19: memref<10240xf32, #tpu.memory_space<vmem_shared>>, %arg20: memref<!tpu.dma_semaphore, #tpu.memory_space<semaphore_mem>>, %arg21: memref<!tpu.dma_semaphore, #tpu.memory_space<semaphore_mem>>, %arg22: memref<!tpu.dma_semaphore, #tpu.memory_space<semaphore_mem>>, %arg23: memref<!tpu.dma_semaphore, #tpu.memory_space<semaphore_mem>>, %arg24: memref<!tpu.dma_semaphore, #tpu.memory_space<semaphore_mem>>, %arg25: memref<!tpu.dma_semaphore, #tpu.memory_space<semaphore_mem>>) attributes {dimension_semantics = [#tpu.dimension_semantics<core_parallel>, #tpu.dimension_semantics<subcore_parallel>], iteration_bounds = array<i64: 2, 16>, scalar_prefetch = 0 : i64, scratch_operands = 16 : i64, tpu.core_type = #tpu.core_type<sc_vector_subcore>, window_params = [{transform_indices = #map}, {transform_indices = #map}, {transform_indices = #map}, {transform_indices = #map}, {transform_indices = #map1}, {transform_indices = #map1}, {transform_indices = #map2}, {transform_indices = #map}]} {
    %mul3A = arith.constant 16 : i32
    %mul3A_0 = arith.muli %arg0, %mul3A : i32
    %add3A = arith.addi %mul3A_0, %arg1 : i32
    "tpu.region"() ({
      %run_scoped3A = tpu.sem_alloc : memref<!tpu.dma_semaphore, #tpu.memory_space<semaphore_mem>>
      tpu.enqueue_dma source(%arg5 : memref<128x128xf32, #tpu.memory_space<hbm>>) target(%arg14 : memref<128x128xf32, #tpu.memory_space<vmem>>) target_semaphore(%run_scoped3A : memref<!tpu.dma_semaphore, #tpu.memory_space<semaphore_mem>>)
      tpu.wait_dma2 semaphore(%run_scoped3A : memref<!tpu.dma_semaphore, #tpu.memory_space<semaphore_mem>>) src(%arg5 : memref<128x128xf32, #tpu.memory_space<hbm>>) dst(%arg14 : memref<128x128xf32, #tpu.memory_space<vmem>>)
      tpu.yield
    }) : () -> ()
    "tpu.region"() ({
      %run_scoped3A = tpu.sem_alloc : memref<!tpu.dma_semaphore, #tpu.memory_space<semaphore_mem>>
      tpu.enqueue_dma source(%arg6 : memref<512xf32, #tpu.memory_space<hbm>>) target(%arg16 : memref<512xf32, #tpu.memory_space<vmem>>) target_semaphore(%run_scoped3A : memref<!tpu.dma_semaphore, #tpu.memory_space<semaphore_mem>>)
      tpu.wait_dma2 semaphore(%run_scoped3A : memref<!tpu.dma_semaphore, #tpu.memory_space<semaphore_mem>>) src(%arg6 : memref<512xf32, #tpu.memory_space<hbm>>) dst(%arg16 : memref<512xf32, #tpu.memory_space<vmem>>)
      tpu.yield
    }) : () -> ()
    "tpu.region"() ({
      %run_scoped3A = tpu.sem_alloc : memref<!tpu.dma_semaphore, #tpu.memory_space<semaphore_mem>>
      tpu.enqueue_dma source(%arg7 : memref<640xf32, #tpu.memory_space<hbm>>) target(%arg17 : memref<640xf32, #tpu.memory_space<vmem>>) target_semaphore(%run_scoped3A : memref<!tpu.dma_semaphore, #tpu.memory_space<semaphore_mem>>)
      tpu.wait_dma2 semaphore(%run_scoped3A : memref<!tpu.dma_semaphore, #tpu.memory_space<semaphore_mem>>) src(%arg7 : memref<640xf32, #tpu.memory_space<hbm>>) dst(%arg17 : memref<640xf32, #tpu.memory_space<vmem>>)
      tpu.yield
    }) : () -> ()
    %mul3A_1 = arith.constant 640 : i32
    %mul3A_2 = arith.muli %arg1, %mul3A_1 : i32
    %add3A_3 = arith.constant 0 : i32
    %add3A_4 = arith.addi %mul3A_2, %add3A_3 : i32
    "tpu.region"() ({
      %run_scoped3A = tpu.sem_alloc : memref<!tpu.dma_semaphore, #tpu.memory_space<semaphore_mem>>
      %dma_start3A = arith.constant 0 : i32
      %dma_start3A_45 = tpu.memref_slice %arg18[%add3A_4, %dma_start3A] : memref<10240x128xf32, #tpu.memory_space<vmem_shared>> -> memref<128x128xf32, #tpu.memory_space<vmem_shared>>
      %dma_start3A_46 = arith.constant 0 : i32
      %dma_start3A_47 = tpu.memref_slice %arg18[%add3A_4, %dma_start3A_46] : memref<10240x128xf32, #tpu.memory_space<vmem_shared>> -> memref<128x128xf32, #tpu.memory_space<vmem_shared>>
      tpu.enqueue_dma source(%arg14 : memref<128x128xf32, #tpu.memory_space<vmem>>) target(%dma_start3A_47 : memref<128x128xf32, #tpu.memory_space<vmem_shared>>) target_semaphore(%run_scoped3A : memref<!tpu.dma_semaphore, #tpu.memory_space<semaphore_mem>>)
      %dma_wait3A = arith.constant 0 : i32
      %dma_wait3A_48 = tpu.memref_slice %arg18[%add3A_4, %dma_wait3A] : memref<10240x128xf32, #tpu.memory_space<vmem_shared>> -> memref<128x128xf32, #tpu.memory_space<vmem_shared>>
      %dma_wait3A_49 = arith.constant 0 : i32
      %dma_wait3A_50 = tpu.memref_slice %arg18[%add3A_4, %dma_wait3A_49] : memref<10240x128xf32, #tpu.memory_space<vmem_shared>> -> memref<128x128xf32, #tpu.memory_space<vmem_shared>>
      tpu.wait_dma2 semaphore(%run_scoped3A : memref<!tpu.dma_semaphore, #tpu.memory_space<semaphore_mem>>) src(%arg14 : memref<128x128xf32, #tpu.memory_space<vmem>>) dst(%dma_wait3A_50 : memref<128x128xf32, #tpu.memory_space<vmem_shared>>)
      tpu.yield
    }) : () -> ()
    %add3A_5 = arith.constant 128 : i32
    %add3A_6 = arith.addi %mul3A_2, %add3A_5 : i32
    "tpu.region"() ({
      %run_scoped3A = tpu.sem_alloc : memref<!tpu.dma_semaphore, #tpu.memory_space<semaphore_mem>>
      %dma_start3A = arith.constant 0 : i32
      %dma_start3A_45 = tpu.memref_slice %arg18[%add3A_6, %dma_start3A] : memref<10240x128xf32, #tpu.memory_space<vmem_shared>> -> memref<128x128xf32, #tpu.memory_space<vmem_shared>>
      %dma_start3A_46 = arith.constant 0 : i32
      %dma_start3A_47 = tpu.memref_slice %arg18[%add3A_6, %dma_start3A_46] : memref<10240x128xf32, #tpu.memory_space<vmem_shared>> -> memref<128x128xf32, #tpu.memory_space<vmem_shared>>
      tpu.enqueue_dma source(%arg14 : memref<128x128xf32, #tpu.memory_space<vmem>>) target(%dma_start3A_47 : memref<128x128xf32, #tpu.memory_space<vmem_shared>>) target_semaphore(%run_scoped3A : memref<!tpu.dma_semaphore, #tpu.memory_space<semaphore_mem>>)
      %dma_wait3A = arith.constant 0 : i32
      %dma_wait3A_48 = tpu.memref_slice %arg18[%add3A_6, %dma_wait3A] : memref<10240x128xf32, #tpu.memory_space<vmem_shared>> -> memref<128x128xf32, #tpu.memory_space<vmem_shared>>
      %dma_wait3A_49 = arith.constant 0 : i32
      %dma_wait3A_50 = tpu.memref_slice %arg18[%add3A_6, %dma_wait3A_49] : memref<10240x128xf32, #tpu.memory_space<vmem_shared>> -> memref<128x128xf32, #tpu.memory_space<vmem_shared>>
      tpu.wait_dma2 semaphore(%run_scoped3A : memref<!tpu.dma_semaphore, #tpu.memory_space<semaphore_mem>>) src(%arg14 : memref<128x128xf32, #tpu.memory_space<vmem>>) dst(%dma_wait3A_50 : memref<128x128xf32, #tpu.memory_space<vmem_shared>>)
      tpu.yield
    }) : () -> ()
    %add3A_7 = arith.constant 256 : i32
    %add3A_8 = arith.addi %mul3A_2, %add3A_7 : i32
    "tpu.region"() ({
      %run_scoped3A = tpu.sem_alloc : memref<!tpu.dma_semaphore, #tpu.memory_space<semaphore_mem>>
      %dma_start3A = arith.constant 0 : i32
      %dma_start3A_45 = tpu.memref_slice %arg18[%add3A_8, %dma_start3A] : memref<10240x128xf32, #tpu.memory_space<vmem_shared>> -> memref<128x128xf32, #tpu.memory_space<vmem_shared>>
      %dma_start3A_46 = arith.constant 0 : i32
      %dma_start3A_47 = tpu.memref_slice %arg18[%add3A_8, %dma_start3A_46] : memref<10240x128xf32, #tpu.memory_space<vmem_shared>> -> memref<128x128xf32, #tpu.memory_space<vmem_shared>>
      tpu.enqueue_dma source(%arg14 : memref<128x128xf32, #tpu.memory_space<vmem>>) target(%dma_start3A_47 : memref<128x128xf32, #tpu.memory_space<vmem_shared>>) target_semaphore(%run_scoped3A : memref<!tpu.dma_semaphore, #tpu.memory_space<semaphore_mem>>)
      %dma_wait3A = arith.constant 0 : i32
      %dma_wait3A_48 = tpu.memref_slice %arg18[%add3A_8, %dma_wait3A] : memref<10240x128xf32, #tpu.memory_space<vmem_shared>> -> memref<128x128xf32, #tpu.memory_space<vmem_shared>>
      %dma_wait3A_49 = arith.constant 0 : i32
      %dma_wait3A_50 = tpu.memref_slice %arg18[%add3A_8, %dma_wait3A_49] : memref<10240x128xf32, #tpu.memory_space<vmem_shared>> -> memref<128x128xf32, #tpu.memory_space<vmem_shared>>
      tpu.wait_dma2 semaphore(%run_scoped3A : memref<!tpu.dma_semaphore, #tpu.memory_space<semaphore_mem>>) src(%arg14 : memref<128x128xf32, #tpu.memory_space<vmem>>) dst(%dma_wait3A_50 : memref<128x128xf32, #tpu.memory_space<vmem_shared>>)
      tpu.yield
    }) : () -> ()
    %add3A_9 = arith.constant 384 : i32
    %add3A_10 = arith.addi %mul3A_2, %add3A_9 : i32
    "tpu.region"() ({
      %run_scoped3A = tpu.sem_alloc : memref<!tpu.dma_semaphore, #tpu.memory_space<semaphore_mem>>
      %dma_start3A = arith.constant 0 : i32
      %dma_start3A_45 = tpu.memref_slice %arg18[%add3A_10, %dma_start3A] : memref<10240x128xf32, #tpu.memory_space<vmem_shared>> -> memref<128x128xf32, #tpu.memory_space<vmem_shared>>
      %dma_start3A_46 = arith.constant 0 : i32
      %dma_start3A_47 = tpu.memref_slice %arg18[%add3A_10, %dma_start3A_46] : memref<10240x128xf32, #tpu.memory_space<vmem_shared>> -> memref<128x128xf32, #tpu.memory_space<vmem_shared>>
      tpu.enqueue_dma source(%arg14 : memref<128x128xf32, #tpu.memory_space<vmem>>) target(%dma_start3A_47 : memref<128x128xf32, #tpu.memory_space<vmem_shared>>) target_semaphore(%run_scoped3A : memref<!tpu.dma_semaphore, #tpu.memory_space<semaphore_mem>>)
      %dma_wait3A = arith.constant 0 : i32
      %dma_wait3A_48 = tpu.memref_slice %arg18[%add3A_10, %dma_wait3A] : memref<10240x128xf32, #tpu.memory_space<vmem_shared>> -> memref<128x128xf32, #tpu.memory_space<vmem_shared>>
      %dma_wait3A_49 = arith.constant 0 : i32
      %dma_wait3A_50 = tpu.memref_slice %arg18[%add3A_10, %dma_wait3A_49] : memref<10240x128xf32, #tpu.memory_space<vmem_shared>> -> memref<128x128xf32, #tpu.memory_space<vmem_shared>>
      tpu.wait_dma2 semaphore(%run_scoped3A : memref<!tpu.dma_semaphore, #tpu.memory_space<semaphore_mem>>) src(%arg14 : memref<128x128xf32, #tpu.memory_space<vmem>>) dst(%dma_wait3A_50 : memref<128x128xf32, #tpu.memory_space<vmem_shared>>)
      tpu.yield
    }) : () -> ()
    %add3A_11 = arith.constant 512 : i32
    %add3A_12 = arith.addi %mul3A_2, %add3A_11 : i32
    "tpu.region"() ({
      %run_scoped3A = tpu.sem_alloc : memref<!tpu.dma_semaphore, #tpu.memory_space<semaphore_mem>>
      %dma_start3A = arith.constant 0 : i32
      %dma_start3A_45 = tpu.memref_slice %arg18[%add3A_12, %dma_start3A] : memref<10240x128xf32, #tpu.memory_space<vmem_shared>> -> memref<128x128xf32, #tpu.memory_space<vmem_shared>>
      %dma_start3A_46 = arith.constant 0 : i32
      %dma_start3A_47 = tpu.memref_slice %arg18[%add3A_12, %dma_start3A_46] : memref<10240x128xf32, #tpu.memory_space<vmem_shared>> -> memref<128x128xf32, #tpu.memory_space<vmem_shared>>
      tpu.enqueue_dma source(%arg14 : memref<128x128xf32, #tpu.memory_space<vmem>>) target(%dma_start3A_47 : memref<128x128xf32, #tpu.memory_space<vmem_shared>>) target_semaphore(%run_scoped3A : memref<!tpu.dma_semaphore, #tpu.memory_space<semaphore_mem>>)
      %dma_wait3A = arith.constant 0 : i32
      %dma_wait3A_48 = tpu.memref_slice %arg18[%add3A_12, %dma_wait3A] : memref<10240x128xf32, #tpu.memory_space<vmem_shared>> -> memref<128x128xf32, #tpu.memory_space<vmem_shared>>
      %dma_wait3A_49 = arith.constant 0 : i32
      %dma_wait3A_50 = tpu.memref_slice %arg18[%add3A_12, %dma_wait3A_49] : memref<10240x128xf32, #tpu.memory_space<vmem_shared>> -> memref<128x128xf32, #tpu.memory_space<vmem_shared>>
      tpu.wait_dma2 semaphore(%run_scoped3A : memref<!tpu.dma_semaphore, #tpu.memory_space<semaphore_mem>>) src(%arg14 : memref<128x128xf32, #tpu.memory_space<vmem>>) dst(%dma_wait3A_50 : memref<128x128xf32, #tpu.memory_space<vmem_shared>>)
      tpu.yield
    }) : () -> ()
    "tpu.region"() ({
      %run_scoped3A = tpu.sem_alloc : memref<!tpu.dma_semaphore, #tpu.memory_space<semaphore_mem>>
      %dma_start3A = tpu.memref_slice %arg19[%mul3A_2] : memref<10240xf32, #tpu.memory_space<vmem_shared>> -> memref<640xf32, #tpu.memory_space<vmem_shared>>
      %dma_start3A_45 = tpu.memref_slice %arg19[%mul3A_2] : memref<10240xf32, #tpu.memory_space<vmem_shared>> -> memref<640xf32, #tpu.memory_space<vmem_shared>>
      tpu.enqueue_dma source(%arg17 : memref<640xf32, #tpu.memory_space<vmem>>) target(%dma_start3A_45 : memref<640xf32, #tpu.memory_space<vmem_shared>>) target_semaphore(%run_scoped3A : memref<!tpu.dma_semaphore, #tpu.memory_space<semaphore_mem>>)
      %dma_wait3A = tpu.memref_slice %arg19[%mul3A_2] : memref<10240xf32, #tpu.memory_space<vmem_shared>> -> memref<640xf32, #tpu.memory_space<vmem_shared>>
      %dma_wait3A_46 = tpu.memref_slice %arg19[%mul3A_2] : memref<10240xf32, #tpu.memory_space<vmem_shared>> -> memref<640xf32, #tpu.memory_space<vmem_shared>>
      tpu.wait_dma2 semaphore(%run_scoped3A : memref<!tpu.dma_semaphore, #tpu.memory_space<semaphore_mem>>) src(%arg17 : memref<640xf32, #tpu.memory_space<vmem>>) dst(%dma_wait3A_46 : memref<640xf32, #tpu.memory_space<vmem_shared>>)
      tpu.yield
    }) : () -> ()
    %barrier3A = arith.constant 0 : index
    tpu.barrier barrier_id(%barrier3A)
    %eq3A = arith.constant 0 : i32
    %eq3A_13 = arith.cmpi eq, %arg0, %eq3A : i32
    %jit3A = arith.constant 15 : i32
    %jit3A_14 = arith.constant 5 : i32
    %select_n3A = arith.select %eq3A_13, %jit3A, %jit3A_14 : i32
    %while3A = arith.constant 0 : i32
    %while3A_15 = arith.constant 0 : i32
    %while3A_16 = arith.subi %select_n3A, %while3A_15 : i32
    %while3A_17 = arith.addi %while3A_15, %while3A_16 : i32
    %while3A_18 = arith.constant 1 : i32
    %while3A_19 = arith.divsi %while3A_16, %while3A_18 : i32
    %while3A_20 = arith.muli %while3A_19, %while3A_18 : i32
    %while3A_21 = arith.addi %while3A_15, %while3A_20 : i32
    %while3A_22 = arith.constant 1 : i32
    scf.for %while3A_45 = %while3A_15 to %while3A_21 step %while3A_22  : i32 {
      %mul3A_46 = arith.constant 2 : i32
      %mul3A_47 = arith.muli %mul3A_46, %while3A_45 : i32
      %mul3A_48 = arith.constant 512 : i32
      %mul3A_49 = arith.muli %mul3A_47, %mul3A_48 : i32
      "tpu.region"() ({
        %run_scoped3A = tpu.sem_alloc : memref<!tpu.dma_semaphore, #tpu.memory_space<semaphore_mem>>
        %dma_start3A_236 = tpu.memref_slice %arg3[%add3A, %mul3A_49] : memref<32x15360xi32, #tpu.memory_space<hbm>> -> memref<1x512xi32, #tpu.memory_space<hbm>>
        %dma_start3A_237 = tpu.memref_squeeze %dma_start3A_236 : memref<1x512xi32, #tpu.memory_space<hbm>> -> memref<512xi32, #tpu.memory_space<hbm>>
        %dma_start3A_238 = tpu.memref_slice %arg3[%add3A, %mul3A_49] : memref<32x15360xi32, #tpu.memory_space<hbm>> -> memref<1x512xi32, #tpu.memory_space<hbm>>
        %dma_start3A_239 = tpu.memref_squeeze %dma_start3A_238 : memref<1x512xi32, #tpu.memory_space<hbm>> -> memref<512xi32, #tpu.memory_space<hbm>>
        tpu.enqueue_dma source(%dma_start3A_239 : memref<512xi32, #tpu.memory_space<hbm>>) target(%arg10 : memref<512xi32, #tpu.memory_space<vmem>>) target_semaphore(%run_scoped3A : memref<!tpu.dma_semaphore, #tpu.memory_space<semaphore_mem>>)
        %dma_wait3A_240 = tpu.memref_slice %arg3[%add3A, %mul3A_49] : memref<32x15360xi32, #tpu.memory_space<hbm>> -> memref<1x512xi32, #tpu.memory_space<hbm>>
        %dma_wait3A_241 = tpu.memref_squeeze %dma_wait3A_240 : memref<1x512xi32, #tpu.memory_space<hbm>> -> memref<512xi32, #tpu.memory_space<hbm>>
        %dma_wait3A_242 = tpu.memref_slice %arg3[%add3A, %mul3A_49] : memref<32x15360xi32, #tpu.memory_space<hbm>> -> memref<1x512xi32, #tpu.memory_space<hbm>>
        %dma_wait3A_243 = tpu.memref_squeeze %dma_wait3A_242 : memref<1x512xi32, #tpu.memory_space<hbm>> -> memref<512xi32, #tpu.memory_space<hbm>>
        tpu.wait_dma2 semaphore(%run_scoped3A : memref<!tpu.dma_semaphore, #tpu.memory_space<semaphore_mem>>) src(%dma_wait3A_243 : memref<512xi32, #tpu.memory_space<hbm>>) dst(%arg10 : memref<512xi32, #tpu.memory_space<vmem>>)
        tpu.yield
      }) : () -> ()
      "tpu.region"() ({
        %run_scoped3A = tpu.sem_alloc : memref<!tpu.dma_semaphore, #tpu.memory_space<semaphore_mem>>
        %dma_start3A_236 = tpu.memref_slice %arg4[%add3A, %mul3A_49] : memref<32x15360xi32, #tpu.memory_space<hbm>> -> memref<1x512xi32, #tpu.memory_space<hbm>>
        %dma_start3A_237 = tpu.memref_squeeze %dma_start3A_236 : memref<1x512xi32, #tpu.memory_space<hbm>> -> memref<512xi32, #tpu.memory_space<hbm>>
        %dma_start3A_238 = tpu.memref_slice %arg4[%add3A, %mul3A_49] : memref<32x15360xi32, #tpu.memory_space<hbm>> -> memref<1x512xi32, #tpu.memory_space<hbm>>
        %dma_start3A_239 = tpu.memref_squeeze %dma_start3A_238 : memref<1x512xi32, #tpu.memory_space<hbm>> -> memref<512xi32, #tpu.memory_space<hbm>>
        tpu.enqueue_dma source(%dma_start3A_239 : memref<512xi32, #tpu.memory_space<hbm>>) target(%arg12 : memref<512xi32, #tpu.memory_space<vmem>>) target_semaphore(%run_scoped3A : memref<!tpu.dma_semaphore, #tpu.memory_space<semaphore_mem>>)
        %dma_wait3A_240 = tpu.memref_slice %arg4[%add3A, %mul3A_49] : memref<32x15360xi32, #tpu.memory_space<hbm>> -> memref<1x512xi32, #tpu.memory_space<hbm>>
        %dma_wait3A_241 = tpu.memref_squeeze %dma_wait3A_240 : memref<1x512xi32, #tpu.memory_space<hbm>> -> memref<512xi32, #tpu.memory_space<hbm>>
        %dma_wait3A_242 = tpu.memref_slice %arg4[%add3A, %mul3A_49] : memref<32x15360xi32, #tpu.memory_space<hbm>> -> memref<1x512xi32, #tpu.memory_space<hbm>>
        %dma_wait3A_243 = tpu.memref_squeeze %dma_wait3A_242 : memref<1x512xi32, #tpu.memory_space<hbm>> -> memref<512xi32, #tpu.memory_space<hbm>>
        tpu.wait_dma2 semaphore(%run_scoped3A : memref<!tpu.dma_semaphore, #tpu.memory_space<semaphore_mem>>) src(%dma_wait3A_243 : memref<512xi32, #tpu.memory_space<hbm>>) dst(%arg12 : memref<512xi32, #tpu.memory_space<vmem>>)
        tpu.yield
      }) : () -> ()
      %add3A_50 = arith.constant 1 : i32
      %add3A_51 = arith.addi %mul3A_47, %add3A_50 : i32
      %dma_start3A = arith.constant 0 : i32
      %dma_start3A_52 = tpu.memref_slice %arg19[%dma_start3A] : memref<10240xf32, #tpu.memory_space<vmem_shared>> -> memref<10240xf32, #tpu.memory_space<vmem_shared>>
      tpu.enqueue_indirect_dma source(%arg16 : memref<512xf32, #tpu.memory_space<vmem>>) target(%dma_start3A_52 : memref<10240xf32, #tpu.memory_space<vmem_shared>>) offsets(%arg12 : memref<512xi32, #tpu.memory_space<vmem>>) semaphore(%arg25 : memref<!tpu.dma_semaphore, #tpu.memory_space<semaphore_mem>>) {add = true}
      %mul3A_53 = arith.constant 512 : i32
      %mul3A_54 = arith.muli %add3A_51, %mul3A_53 : i32
      %dma_start3A_55 = tpu.memref_slice %arg3[%add3A, %mul3A_54] : memref<32x15360xi32, #tpu.memory_space<hbm>> -> memref<1x512xi32, #tpu.memory_space<hbm>>
      %dma_start3A_56 = tpu.memref_squeeze %dma_start3A_55 : memref<1x512xi32, #tpu.memory_space<hbm>> -> memref<512xi32, #tpu.memory_space<hbm>>
      %dma_start3A_57 = tpu.memref_slice %arg3[%add3A, %mul3A_54] : memref<32x15360xi32, #tpu.memory_space<hbm>> -> memref<1x512xi32, #tpu.memory_space<hbm>>
      %dma_start3A_58 = tpu.memref_squeeze %dma_start3A_57 : memref<1x512xi32, #tpu.memory_space<hbm>> -> memref<512xi32, #tpu.memory_space<hbm>>
      tpu.enqueue_dma source(%dma_start3A_58 : memref<512xi32, #tpu.memory_space<hbm>>) target(%arg11 : memref<512xi32, #tpu.memory_space<vmem>>) target_semaphore(%arg24 : memref<!tpu.dma_semaphore, #tpu.memory_space<semaphore_mem>>)
      %dma_start3A_59 = tpu.memref_slice %arg4[%add3A, %mul3A_54] : memref<32x15360xi32, #tpu.memory_space<hbm>> -> memref<1x512xi32, #tpu.memory_space<hbm>>
      %dma_start3A_60 = tpu.memref_squeeze %dma_start3A_59 : memref<1x512xi32, #tpu.memory_space<hbm>> -> memref<512xi32, #tpu.memory_space<hbm>>
      %dma_start3A_61 = tpu.memref_slice %arg4[%add3A, %mul3A_54] : memref<32x15360xi32, #tpu.memory_space<hbm>> -> memref<1x512xi32, #tpu.memory_space<hbm>>
      %dma_start3A_62 = tpu.memref_squeeze %dma_start3A_61 : memref<1x512xi32, #tpu.memory_space<hbm>> -> memref<512xi32, #tpu.memory_space<hbm>>
      tpu.enqueue_dma source(%dma_start3A_62 : memref<512xi32, #tpu.memory_space<hbm>>) target(%arg13 : memref<512xi32, #tpu.memory_space<vmem>>) target_semaphore(%arg24 : memref<!tpu.dma_semaphore, #tpu.memory_space<semaphore_mem>>)
      %dma_start3A_63 = arith.constant 0 : i32
      %dma_start3A_64 = tpu.memref_slice %arg10[%dma_start3A_63] : memref<512xi32, #tpu.memory_space<vmem>> -> memref<128xi32, #tpu.memory_space<vmem>>
      %dma_start3A_65 = arith.constant 0 : i32
      %dma_start3A_66 = arith.constant 0 : i32
      %dma_start3A_67 = tpu.memref_slice %arg2[%dma_start3A_65, %dma_start3A_66] : memref<10240x128xf32, #tpu.memory_space<hbm>> -> memref<10240x128xf32, #tpu.memory_space<hbm>>
      tpu.enqueue_indirect_dma source(%dma_start3A_67 : memref<10240x128xf32, #tpu.memory_space<hbm>>) target(%arg14 : memref<128x128xf32, #tpu.memory_space<vmem>>) offsets(%dma_start3A_64 : memref<128xi32, #tpu.memory_space<vmem>>) semaphore(%arg20 : memref<!tpu.dma_semaphore, #tpu.memory_space<semaphore_mem>>)
      %dma_start3A_68 = arith.constant 128 : i32
      %dma_start3A_69 = tpu.memref_slice %arg10[%dma_start3A_68] : memref<512xi32, #tpu.memory_space<vmem>> -> memref<128xi32, #tpu.memory_space<vmem>>
      %dma_start3A_70 = arith.constant 0 : i32
      %dma_start3A_71 = arith.constant 0 : i32
      %dma_start3A_72 = tpu.memref_slice %arg2[%dma_start3A_70, %dma_start3A_71] : memref<10240x128xf32, #tpu.memory_space<hbm>> -> memref<10240x128xf32, #tpu.memory_space<hbm>>
      tpu.enqueue_indirect_dma source(%dma_start3A_72 : memref<10240x128xf32, #tpu.memory_space<hbm>>) target(%arg15 : memref<128x128xf32, #tpu.memory_space<vmem>>) offsets(%dma_start3A_69 : memref<128xi32, #tpu.memory_space<vmem>>) semaphore(%arg21 : memref<!tpu.dma_semaphore, #tpu.memory_space<semaphore_mem>>)
      %dma_wait3A = arith.constant 0 : i32
      %dma_wait3A_73 = tpu.memref_slice %arg10[%dma_wait3A] : memref<512xi32, #tpu.memory_space<vmem>> -> memref<128xi32, #tpu.memory_space<vmem>>
      %dma_wait3A_74 = arith.constant 0 : i32
      %dma_wait3A_75 = arith.constant 0 : i32
      %dma_wait3A_76 = tpu.memref_slice %arg2[%dma_wait3A_74, %dma_wait3A_75] : memref<10240x128xf32, #tpu.memory_space<hbm>> -> memref<10240x128xf32, #tpu.memory_space<hbm>>
      tpu.wait_indirect_dma semaphore(%arg20 : memref<!tpu.dma_semaphore, #tpu.memory_space<semaphore_mem>>) src(%dma_wait3A_76 : memref<10240x128xf32, #tpu.memory_space<hbm>>) dst(%arg14 : memref<128x128xf32, #tpu.memory_space<vmem>>)
      %dma_start3A_77 = arith.constant 0 : i32
      %dma_start3A_78 = tpu.memref_slice %arg12[%dma_start3A_77] : memref<512xi32, #tpu.memory_space<vmem>> -> memref<128xi32, #tpu.memory_space<vmem>>
      %dma_start3A_79 = arith.constant 0 : i32
      %dma_start3A_80 = arith.constant 0 : i32
      %dma_start3A_81 = tpu.memref_slice %arg18[%dma_start3A_79, %dma_start3A_80] : memref<10240x128xf32, #tpu.memory_space<vmem_shared>> -> memref<10240x128xf32, #tpu.memory_space<vmem_shared>>
      tpu.enqueue_indirect_dma source(%arg14 : memref<128x128xf32, #tpu.memory_space<vmem>>) target(%dma_start3A_81 : memref<10240x128xf32, #tpu.memory_space<vmem_shared>>) offsets(%dma_start3A_78 : memref<128xi32, #tpu.memory_space<vmem>>) semaphore(%arg22 : memref<!tpu.dma_semaphore, #tpu.memory_space<semaphore_mem>>) {add = true}
      %dma_wait3A_82 = arith.constant 128 : i32
      %dma_wait3A_83 = tpu.memref_slice %arg10[%dma_wait3A_82] : memref<512xi32, #tpu.memory_space<vmem>> -> memref<128xi32, #tpu.memory_space<vmem>>
      %dma_wait3A_84 = arith.constant 0 : i32
      %dma_wait3A_85 = arith.constant 0 : i32
      %dma_wait3A_86 = tpu.memref_slice %arg2[%dma_wait3A_84, %dma_wait3A_85] : memref<10240x128xf32, #tpu.memory_space<hbm>> -> memref<10240x128xf32, #tpu.memory_space<hbm>>
      tpu.wait_indirect_dma semaphore(%arg21 : memref<!tpu.dma_semaphore, #tpu.memory_space<semaphore_mem>>) src(%dma_wait3A_86 : memref<10240x128xf32, #tpu.memory_space<hbm>>) dst(%arg15 : memref<128x128xf32, #tpu.memory_space<vmem>>)
      %dma_start3A_87 = arith.constant 128 : i32
      %dma_start3A_88 = tpu.memref_slice %arg12[%dma_start3A_87] : memref<512xi32, #tpu.memory_space<vmem>> -> memref<128xi32, #tpu.memory_space<vmem>>
      %dma_start3A_89 = arith.constant 0 : i32
      %dma_start3A_90 = arith.constant 0 : i32
      %dma_start3A_91 = tpu.memref_slice %arg18[%dma_start3A_89, %dma_start3A_90] : memref<10240x128xf32, #tpu.memory_space<vmem_shared>> -> memref<10240x128xf32, #tpu.memory_space<vmem_shared>>
      tpu.enqueue_indirect_dma source(%arg15 : memref<128x128xf32, #tpu.memory_space<vmem>>) target(%dma_start3A_91 : memref<10240x128xf32, #tpu.memory_space<vmem_shared>>) offsets(%dma_start3A_88 : memref<128xi32, #tpu.memory_space<vmem>>) semaphore(%arg23 : memref<!tpu.dma_semaphore, #tpu.memory_space<semaphore_mem>>) {add = true}
      %dma_wait3A_92 = arith.constant 0 : i32
      %dma_wait3A_93 = tpu.memref_slice %arg12[%dma_wait3A_92] : memref<512xi32, #tpu.memory_space<vmem>> -> memref<128xi32, #tpu.memory_space<vmem>>
      %dma_wait3A_94 = arith.constant 0 : i32
      %dma_wait3A_95 = arith.constant 0 : i32
      %dma_wait3A_96 = tpu.memref_slice %arg18[%dma_wait3A_94, %dma_wait3A_95] : memref<10240x128xf32, #tpu.memory_space<vmem_shared>> -> memref<10240x128xf32, #tpu.memory_space<vmem_shared>>
      tpu.wait_indirect_dma semaphore(%arg22 : memref<!tpu.dma_semaphore, #tpu.memory_space<semaphore_mem>>) src(%arg14 : memref<128x128xf32, #tpu.memory_space<vmem>>) dst(%dma_wait3A_96 : memref<10240x128xf32, #tpu.memory_space<vmem_shared>>)
      %dma_start3A_97 = arith.constant 256 : i32
      %dma_start3A_98 = tpu.memref_slice %arg10[%dma_start3A_97] : memref<512xi32, #tpu.memory_space<vmem>> -> memref<128xi32, #tpu.memory_space<vmem>>
      %dma_start3A_99 = arith.constant 0 : i32
      %dma_start3A_100 = arith.constant 0 : i32
      %dma_start3A_101 = tpu.memref_slice %arg2[%dma_start3A_99, %dma_start3A_100] : memref<10240x128xf32, #tpu.memory_space<hbm>> -> memref<10240x128xf32, #tpu.memory_space<hbm>>
      tpu.enqueue_indirect_dma source(%dma_start3A_101 : memref<10240x128xf32, #tpu.memory_space<hbm>>) target(%arg14 : memref<128x128xf32, #tpu.memory_space<vmem>>) offsets(%dma_start3A_98 : memref<128xi32, #tpu.memory_space<vmem>>) semaphore(%arg20 : memref<!tpu.dma_semaphore, #tpu.memory_space<semaphore_mem>>)
      %dma_wait3A_102 = arith.constant 256 : i32
      %dma_wait3A_103 = tpu.memref_slice %arg10[%dma_wait3A_102] : memref<512xi32, #tpu.memory_space<vmem>> -> memref<128xi32, #tpu.memory_space<vmem>>
      %dma_wait3A_104 = arith.constant 0 : i32
      %dma_wait3A_105 = arith.constant 0 : i32
      %dma_wait3A_106 = tpu.memref_slice %arg2[%dma_wait3A_104, %dma_wait3A_105] : memref<10240x128xf32, #tpu.memory_space<hbm>> -> memref<10240x128xf32, #tpu.memory_space<hbm>>
      tpu.wait_indirect_dma semaphore(%arg20 : memref<!tpu.dma_semaphore, #tpu.memory_space<semaphore_mem>>) src(%dma_wait3A_106 : memref<10240x128xf32, #tpu.memory_space<hbm>>) dst(%arg14 : memref<128x128xf32, #tpu.memory_space<vmem>>)
      %dma_start3A_107 = arith.constant 256 : i32
      %dma_start3A_108 = tpu.memref_slice %arg12[%dma_start3A_107] : memref<512xi32, #tpu.memory_space<vmem>> -> memref<128xi32, #tpu.memory_space<vmem>>
      %dma_start3A_109 = arith.constant 0 : i32
      %dma_start3A_110 = arith.constant 0 : i32
      %dma_start3A_111 = tpu.memref_slice %arg18[%dma_start3A_109, %dma_start3A_110] : memref<10240x128xf32, #tpu.memory_space<vmem_shared>> -> memref<10240x128xf32, #tpu.memory_space<vmem_shared>>
      tpu.enqueue_indirect_dma source(%arg14 : memref<128x128xf32, #tpu.memory_space<vmem>>) target(%dma_start3A_111 : memref<10240x128xf32, #tpu.memory_space<vmem_shared>>) offsets(%dma_start3A_108 : memref<128xi32, #tpu.memory_space<vmem>>) semaphore(%arg22 : memref<!tpu.dma_semaphore, #tpu.memory_space<semaphore_mem>>) {add = true}
      %dma_wait3A_112 = arith.constant 128 : i32
      %dma_wait3A_113 = tpu.memref_slice %arg12[%dma_wait3A_112] : memref<512xi32, #tpu.memory_space<vmem>> -> memref<128xi32, #tpu.memory_space<vmem>>
      %dma_wait3A_114 = arith.constant 0 : i32
      %dma_wait3A_115 = arith.constant 0 : i32
      %dma_wait3A_116 = tpu.memref_slice %arg18[%dma_wait3A_114, %dma_wait3A_115] : memref<10240x128xf32, #tpu.memory_space<vmem_shared>> -> memref<10240x128xf32, #tpu.memory_space<vmem_shared>>
      tpu.wait_indirect_dma semaphore(%arg23 : memref<!tpu.dma_semaphore, #tpu.memory_space<semaphore_mem>>) src(%arg15 : memref<128x128xf32, #tpu.memory_space<vmem>>) dst(%dma_wait3A_116 : memref<10240x128xf32, #tpu.memory_space<vmem_shared>>)
      %dma_start3A_117 = arith.constant 384 : i32
      %dma_start3A_118 = tpu.memref_slice %arg10[%dma_start3A_117] : memref<512xi32, #tpu.memory_space<vmem>> -> memref<128xi32, #tpu.memory_space<vmem>>
      %dma_start3A_119 = arith.constant 0 : i32
      %dma_start3A_120 = arith.constant 0 : i32
      %dma_start3A_121 = tpu.memref_slice %arg2[%dma_start3A_119, %dma_start3A_120] : memref<10240x128xf32, #tpu.memory_space<hbm>> -> memref<10240x128xf32, #tpu.memory_space<hbm>>
      tpu.enqueue_indirect_dma source(%dma_start3A_121 : memref<10240x128xf32, #tpu.memory_space<hbm>>) target(%arg15 : memref<128x128xf32, #tpu.memory_space<vmem>>) offsets(%dma_start3A_118 : memref<128xi32, #tpu.memory_space<vmem>>) semaphore(%arg21 : memref<!tpu.dma_semaphore, #tpu.memory_space<semaphore_mem>>)
      %dma_wait3A_122 = arith.constant 384 : i32
      %dma_wait3A_123 = tpu.memref_slice %arg10[%dma_wait3A_122] : memref<512xi32, #tpu.memory_space<vmem>> -> memref<128xi32, #tpu.memory_space<vmem>>
      %dma_wait3A_124 = arith.constant 0 : i32
      %dma_wait3A_125 = arith.constant 0 : i32
      %dma_wait3A_126 = tpu.memref_slice %arg2[%dma_wait3A_124, %dma_wait3A_125] : memref<10240x128xf32, #tpu.memory_space<hbm>> -> memref<10240x128xf32, #tpu.memory_space<hbm>>
      tpu.wait_indirect_dma semaphore(%arg21 : memref<!tpu.dma_semaphore, #tpu.memory_space<semaphore_mem>>) src(%dma_wait3A_126 : memref<10240x128xf32, #tpu.memory_space<hbm>>) dst(%arg15 : memref<128x128xf32, #tpu.memory_space<vmem>>)
      %dma_start3A_127 = arith.constant 384 : i32
      %dma_start3A_128 = tpu.memref_slice %arg12[%dma_start3A_127] : memref<512xi32, #tpu.memory_space<vmem>> -> memref<128xi32, #tpu.memory_space<vmem>>
      %dma_start3A_129 = arith.constant 0 : i32
      %dma_start3A_130 = arith.constant 0 : i32
      %dma_start3A_131 = tpu.memref_slice %arg18[%dma_start3A_129, %dma_start3A_130] : memref<10240x128xf32, #tpu.memory_space<vmem_shared>> -> memref<10240x128xf32, #tpu.memory_space<vmem_shared>>
      tpu.enqueue_indirect_dma source(%arg15 : memref<128x128xf32, #tpu.memory_space<vmem>>) target(%dma_start3A_131 : memref<10240x128xf32, #tpu.memory_space<vmem_shared>>) offsets(%dma_start3A_128 : memref<128xi32, #tpu.memory_space<vmem>>) semaphore(%arg23 : memref<!tpu.dma_semaphore, #tpu.memory_space<semaphore_mem>>) {add = true}
      %dma_wait3A_132 = arith.constant 256 : i32
      %dma_wait3A_133 = tpu.memref_slice %arg12[%dma_wait3A_132] : memref<512xi32, #tpu.memory_space<vmem>> -> memref<128xi32, #tpu.memory_space<vmem>>
      %dma_wait3A_134 = arith.constant 0 : i32
      %dma_wait3A_135 = arith.constant 0 : i32
      %dma_wait3A_136 = tpu.memref_slice %arg18[%dma_wait3A_134, %dma_wait3A_135] : memref<10240x128xf32, #tpu.memory_space<vmem_shared>> -> memref<10240x128xf32, #tpu.memory_space<vmem_shared>>
      tpu.wait_indirect_dma semaphore(%arg22 : memref<!tpu.dma_semaphore, #tpu.memory_space<semaphore_mem>>) src(%arg14 : memref<128x128xf32, #tpu.memory_space<vmem>>) dst(%dma_wait3A_136 : memref<10240x128xf32, #tpu.memory_space<vmem_shared>>)
      %dma_wait3A_137 = arith.constant 384 : i32
      %dma_wait3A_138 = tpu.memref_slice %arg12[%dma_wait3A_137] : memref<512xi32, #tpu.memory_space<vmem>> -> memref<128xi32, #tpu.memory_space<vmem>>
      %dma_wait3A_139 = arith.constant 0 : i32
      %dma_wait3A_140 = arith.constant 0 : i32
      %dma_wait3A_141 = tpu.memref_slice %arg18[%dma_wait3A_139, %dma_wait3A_140] : memref<10240x128xf32, #tpu.memory_space<vmem_shared>> -> memref<10240x128xf32, #tpu.memory_space<vmem_shared>>
      tpu.wait_indirect_dma semaphore(%arg23 : memref<!tpu.dma_semaphore, #tpu.memory_space<semaphore_mem>>) src(%arg15 : memref<128x128xf32, #tpu.memory_space<vmem>>) dst(%dma_wait3A_141 : memref<10240x128xf32, #tpu.memory_space<vmem_shared>>)
      %dma_wait3A_142 = arith.constant 0 : i32
      %dma_wait3A_143 = tpu.memref_slice %arg19[%dma_wait3A_142] : memref<10240xf32, #tpu.memory_space<vmem_shared>> -> memref<10240xf32, #tpu.memory_space<vmem_shared>>
      tpu.wait_indirect_dma semaphore(%arg25 : memref<!tpu.dma_semaphore, #tpu.memory_space<semaphore_mem>>) src(%arg16 : memref<512xf32, #tpu.memory_space<vmem>>) dst(%dma_wait3A_143 : memref<10240xf32, #tpu.memory_space<vmem_shared>>)
      %dma_wait3A_144 = tpu.memref_slice %arg3[%add3A, %mul3A_54] : memref<32x15360xi32, #tpu.memory_space<hbm>> -> memref<1x512xi32, #tpu.memory_space<hbm>>
      %dma_wait3A_145 = tpu.memref_squeeze %dma_wait3A_144 : memref<1x512xi32, #tpu.memory_space<hbm>> -> memref<512xi32, #tpu.memory_space<hbm>>
      %dma_wait3A_146 = tpu.memref_slice %arg3[%add3A, %mul3A_54] : memref<32x15360xi32, #tpu.memory_space<hbm>> -> memref<1x512xi32, #tpu.memory_space<hbm>>
      %dma_wait3A_147 = tpu.memref_squeeze %dma_wait3A_146 : memref<1x512xi32, #tpu.memory_space<hbm>> -> memref<512xi32, #tpu.memory_space<hbm>>
      tpu.wait_dma2 semaphore(%arg24 : memref<!tpu.dma_semaphore, #tpu.memory_space<semaphore_mem>>) src(%dma_wait3A_147 : memref<512xi32, #tpu.memory_space<hbm>>) dst(%arg11 : memref<512xi32, #tpu.memory_space<vmem>>)
      %dma_wait3A_148 = tpu.memref_slice %arg4[%add3A, %mul3A_54] : memref<32x15360xi32, #tpu.memory_space<hbm>> -> memref<1x512xi32, #tpu.memory_space<hbm>>
      %dma_wait3A_149 = tpu.memref_squeeze %dma_wait3A_148 : memref<1x512xi32, #tpu.memory_space<hbm>> -> memref<512xi32, #tpu.memory_space<hbm>>
      %dma_wait3A_150 = tpu.memref_slice %arg4[%add3A, %mul3A_54] : memref<32x15360xi32, #tpu.memory_space<hbm>> -> memref<1x512xi32, #tpu.memory_space<hbm>>
      %dma_wait3A_151 = tpu.memref_squeeze %dma_wait3A_150 : memref<1x512xi32, #tpu.memory_space<hbm>> -> memref<512xi32, #tpu.memory_space<hbm>>
      tpu.wait_dma2 semaphore(%arg24 : memref<!tpu.dma_semaphore, #tpu.memory_space<semaphore_mem>>) src(%dma_wait3A_151 : memref<512xi32, #tpu.memory_space<hbm>>) dst(%arg13 : memref<512xi32, #tpu.memory_space<vmem>>)
      %dma_start3A_152 = arith.constant 0 : i32
      %dma_start3A_153 = tpu.memref_slice %arg19[%dma_start3A_152] : memref<10240xf32, #tpu.memory_space<vmem_shared>> -> memref<10240xf32, #tpu.memory_space<vmem_shared>>
      tpu.enqueue_indirect_dma source(%arg16 : memref<512xf32, #tpu.memory_space<vmem>>) target(%dma_start3A_153 : memref<10240xf32, #tpu.memory_space<vmem_shared>>) offsets(%arg13 : memref<512xi32, #tpu.memory_space<vmem>>) semaphore(%arg25 : memref<!tpu.dma_semaphore, #tpu.memory_space<semaphore_mem>>) {add = true}
      %dma_start3A_154 = arith.constant 0 : i32
      %dma_start3A_155 = tpu.memref_slice %arg11[%dma_start3A_154] : memref<512xi32, #tpu.memory_space<vmem>> -> memref<128xi32, #tpu.memory_space<vmem>>
      %dma_start3A_156 = arith.constant 0 : i32
      %dma_start3A_157 = arith.constant 0 : i32
      %dma_start3A_158 = tpu.memref_slice %arg2[%dma_start3A_156, %dma_start3A_157] : memref<10240x128xf32, #tpu.memory_space<hbm>> -> memref<10240x128xf32, #tpu.memory_space<hbm>>
      tpu.enqueue_indirect_dma source(%dma_start3A_158 : memref<10240x128xf32, #tpu.memory_space<hbm>>) target(%arg14 : memref<128x128xf32, #tpu.memory_space<vmem>>) offsets(%dma_start3A_155 : memref<128xi32, #tpu.memory_space<vmem>>) semaphore(%arg20 : memref<!tpu.dma_semaphore, #tpu.memory_space<semaphore_mem>>)
      %dma_start3A_159 = arith.constant 128 : i32
      %dma_start3A_160 = tpu.memref_slice %arg11[%dma_start3A_159] : memref<512xi32, #tpu.memory_space<vmem>> -> memref<128xi32, #tpu.memory_space<vmem>>
      %dma_start3A_161 = arith.constant 0 : i32
      %dma_start3A_162 = arith.constant 0 : i32
      %dma_start3A_163 = tpu.memref_slice %arg2[%dma_start3A_161, %dma_start3A_162] : memref<10240x128xf32, #tpu.memory_space<hbm>> -> memref<10240x128xf32, #tpu.memory_space<hbm>>
      tpu.enqueue_indirect_dma source(%dma_start3A_163 : memref<10240x128xf32, #tpu.memory_space<hbm>>) target(%arg15 : memref<128x128xf32, #tpu.memory_space<vmem>>) offsets(%dma_start3A_160 : memref<128xi32, #tpu.memory_space<vmem>>) semaphore(%arg21 : memref<!tpu.dma_semaphore, #tpu.memory_space<semaphore_mem>>)
      %dma_wait3A_164 = arith.constant 0 : i32
      %dma_wait3A_165 = tpu.memref_slice %arg11[%dma_wait3A_164] : memref<512xi32, #tpu.memory_space<vmem>> -> memref<128xi32, #tpu.memory_space<vmem>>
      %dma_wait3A_166 = arith.constant 0 : i32
      %dma_wait3A_167 = arith.constant 0 : i32
      %dma_wait3A_168 = tpu.memref_slice %arg2[%dma_wait3A_166, %dma_wait3A_167] : memref<10240x128xf32, #tpu.memory_space<hbm>> -> memref<10240x128xf32, #tpu.memory_space<hbm>>
      tpu.wait_indirect_dma semaphore(%arg20 : memref<!tpu.dma_semaphore, #tpu.memory_space<semaphore_mem>>) src(%dma_wait3A_168 : memref<10240x128xf32, #tpu.memory_space<hbm>>) dst(%arg14 : memref<128x128xf32, #tpu.memory_space<vmem>>)
      %dma_start3A_169 = arith.constant 0 : i32
      %dma_start3A_170 = tpu.memref_slice %arg13[%dma_start3A_169] : memref<512xi32, #tpu.memory_space<vmem>> -> memref<128xi32, #tpu.memory_space<vmem>>
      %dma_start3A_171 = arith.constant 0 : i32
      %dma_start3A_172 = arith.constant 0 : i32
      %dma_start3A_173 = tpu.memref_slice %arg18[%dma_start3A_171, %dma_start3A_172] : memref<10240x128xf32, #tpu.memory_space<vmem_shared>> -> memref<10240x128xf32, #tpu.memory_space<vmem_shared>>
      tpu.enqueue_indirect_dma source(%arg14 : memref<128x128xf32, #tpu.memory_space<vmem>>) target(%dma_start3A_173 : memref<10240x128xf32, #tpu.memory_space<vmem_shared>>) offsets(%dma_start3A_170 : memref<128xi32, #tpu.memory_space<vmem>>) semaphore(%arg22 : memref<!tpu.dma_semaphore, #tpu.memory_space<semaphore_mem>>) {add = true}
      %dma_wait3A_174 = arith.constant 128 : i32
      %dma_wait3A_175 = tpu.memref_slice %arg11[%dma_wait3A_174] : memref<512xi32, #tpu.memory_space<vmem>> -> memref<128xi32, #tpu.memory_space<vmem>>
      %dma_wait3A_176 = arith.constant 0 : i32
      %dma_wait3A_177 = arith.constant 0 : i32
      %dma_wait3A_178 = tpu.memref_slice %arg2[%dma_wait3A_176, %dma_wait3A_177] : memref<10240x128xf32, #tpu.memory_space<hbm>> -> memref<10240x128xf32, #tpu.memory_space<hbm>>
      tpu.wait_indirect_dma semaphore(%arg21 : memref<!tpu.dma_semaphore, #tpu.memory_space<semaphore_mem>>) src(%dma_wait3A_178 : memref<10240x128xf32, #tpu.memory_space<hbm>>) dst(%arg15 : memref<128x128xf32, #tpu.memory_space<vmem>>)
      %dma_start3A_179 = arith.constant 128 : i32
      %dma_start3A_180 = tpu.memref_slice %arg13[%dma_start3A_179] : memref<512xi32, #tpu.memory_space<vmem>> -> memref<128xi32, #tpu.memory_space<vmem>>
      %dma_start3A_181 = arith.constant 0 : i32
      %dma_start3A_182 = arith.constant 0 : i32
      %dma_start3A_183 = tpu.memref_slice %arg18[%dma_start3A_181, %dma_start3A_182] : memref<10240x128xf32, #tpu.memory_space<vmem_shared>> -> memref<10240x128xf32, #tpu.memory_space<vmem_shared>>
      tpu.enqueue_indirect_dma source(%arg15 : memref<128x128xf32, #tpu.memory_space<vmem>>) target(%dma_start3A_183 : memref<10240x128xf32, #tpu.memory_space<vmem_shared>>) offsets(%dma_start3A_180 : memref<128xi32, #tpu.memory_space<vmem>>) semaphore(%arg23 : memref<!tpu.dma_semaphore, #tpu.memory_space<semaphore_mem>>) {add = true}
      %dma_wait3A_184 = arith.constant 0 : i32
      %dma_wait3A_185 = tpu.memref_slice %arg13[%dma_wait3A_184] : memref<512xi32, #tpu.memory_space<vmem>> -> memref<128xi32, #tpu.memory_space<vmem>>
      %dma_wait3A_186 = arith.constant 0 : i32
      %dma_wait3A_187 = arith.constant 0 : i32
      %dma_wait3A_188 = tpu.memref_slice %arg18[%dma_wait3A_186, %dma_wait3A_187] : memref<10240x128xf32, #tpu.memory_space<vmem_shared>> -> memref<10240x128xf32, #tpu.memory_space<vmem_shared>>
      tpu.wait_indirect_dma semaphore(%arg22 : memref<!tpu.dma_semaphore, #tpu.memory_space<semaphore_mem>>) src(%arg14 : memref<128x128xf32, #tpu.memory_space<vmem>>) dst(%dma_wait3A_188 : memref<10240x128xf32, #tpu.memory_space<vmem_shared>>)
      %dma_start3A_189 = arith.constant 256 : i32
      %dma_start3A_190 = tpu.memref_slice %arg11[%dma_start3A_189] : memref<512xi32, #tpu.memory_space<vmem>> -> memref<128xi32, #tpu.memory_space<vmem>>
      %dma_start3A_191 = arith.constant 0 : i32
      %dma_start3A_192 = arith.constant 0 : i32
      %dma_start3A_193 = tpu.memref_slice %arg2[%dma_start3A_191, %dma_start3A_192] : memref<10240x128xf32, #tpu.memory_space<hbm>> -> memref<10240x128xf32, #tpu.memory_space<hbm>>
      tpu.enqueue_indirect_dma source(%dma_start3A_193 : memref<10240x128xf32, #tpu.memory_space<hbm>>) target(%arg14 : memref<128x128xf32, #tpu.memory_space<vmem>>) offsets(%dma_start3A_190 : memref<128xi32, #tpu.memory_space<vmem>>) semaphore(%arg20 : memref<!tpu.dma_semaphore, #tpu.memory_space<semaphore_mem>>)
      %dma_wait3A_194 = arith.constant 256 : i32
      %dma_wait3A_195 = tpu.memref_slice %arg11[%dma_wait3A_194] : memref<512xi32, #tpu.memory_space<vmem>> -> memref<128xi32, #tpu.memory_space<vmem>>
      %dma_wait3A_196 = arith.constant 0 : i32
      %dma_wait3A_197 = arith.constant 0 : i32
      %dma_wait3A_198 = tpu.memref_slice %arg2[%dma_wait3A_196, %dma_wait3A_197] : memref<10240x128xf32, #tpu.memory_space<hbm>> -> memref<10240x128xf32, #tpu.memory_space<hbm>>
      tpu.wait_indirect_dma semaphore(%arg20 : memref<!tpu.dma_semaphore, #tpu.memory_space<semaphore_mem>>) src(%dma_wait3A_198 : memref<10240x128xf32, #tpu.memory_space<hbm>>) dst(%arg14 : memref<128x128xf32, #tpu.memory_space<vmem>>)
      %dma_start3A_199 = arith.constant 256 : i32
      %dma_start3A_200 = tpu.memref_slice %arg13[%dma_start3A_199] : memref<512xi32, #tpu.memory_space<vmem>> -> memref<128xi32, #tpu.memory_space<vmem>>
      %dma_start3A_201 = arith.constant 0 : i32
      %dma_start3A_202 = arith.constant 0 : i32
      %dma_start3A_203 = tpu.memref_slice %arg18[%dma_start3A_201, %dma_start3A_202] : memref<10240x128xf32, #tpu.memory_space<vmem_shared>> -> memref<10240x128xf32, #tpu.memory_space<vmem_shared>>
      tpu.enqueue_indirect_dma source(%arg14 : memref<128x128xf32, #tpu.memory_space<vmem>>) target(%dma_start3A_203 : memref<10240x128xf32, #tpu.memory_space<vmem_shared>>) offsets(%dma_start3A_200 : memref<128xi32, #tpu.memory_space<vmem>>) semaphore(%arg22 : memref<!tpu.dma_semaphore, #tpu.memory_space<semaphore_mem>>) {add = true}
      %dma_wait3A_204 = arith.constant 128 : i32
      %dma_wait3A_205 = tpu.memref_slice %arg13[%dma_wait3A_204] : memref<512xi32, #tpu.memory_space<vmem>> -> memref<128xi32, #tpu.memory_space<vmem>>
      %dma_wait3A_206 = arith.constant 0 : i32
      %dma_wait3A_207 = arith.constant 0 : i32
      %dma_wait3A_208 = tpu.memref_slice %arg18[%dma_wait3A_206, %dma_wait3A_207] : memref<10240x128xf32, #tpu.memory_space<vmem_shared>> -> memref<10240x128xf32, #tpu.memory_space<vmem_shared>>
      tpu.wait_indirect_dma semaphore(%arg23 : memref<!tpu.dma_semaphore, #tpu.memory_space<semaphore_mem>>) src(%arg15 : memref<128x128xf32, #tpu.memory_space<vmem>>) dst(%dma_wait3A_208 : memref<10240x128xf32, #tpu.memory_space<vmem_shared>>)
      %dma_start3A_209 = arith.constant 384 : i32
      %dma_start3A_210 = tpu.memref_slice %arg11[%dma_start3A_209] : memref<512xi32, #tpu.memory_space<vmem>> -> memref<128xi32, #tpu.memory_space<vmem>>
      %dma_start3A_211 = arith.constant 0 : i32
      %dma_start3A_212 = arith.constant 0 : i32
      %dma_start3A_213 = tpu.memref_slice %arg2[%dma_start3A_211, %dma_start3A_212] : memref<10240x128xf32, #tpu.memory_space<hbm>> -> memref<10240x128xf32, #tpu.memory_space<hbm>>
      tpu.enqueue_indirect_dma source(%dma_start3A_213 : memref<10240x128xf32, #tpu.memory_space<hbm>>) target(%arg15 : memref<128x128xf32, #tpu.memory_space<vmem>>) offsets(%dma_start3A_210 : memref<128xi32, #tpu.memory_space<vmem>>) semaphore(%arg21 : memref<!tpu.dma_semaphore, #tpu.memory_space<semaphore_mem>>)
      %dma_wait3A_214 = arith.constant 384 : i32
      %dma_wait3A_215 = tpu.memref_slice %arg11[%dma_wait3A_214] : memref<512xi32, #tpu.memory_space<vmem>> -> memref<128xi32, #tpu.memory_space<vmem>>
      %dma_wait3A_216 = arith.constant 0 : i32
      %dma_wait3A_217 = arith.constant 0 : i32
      %dma_wait3A_218 = tpu.memref_slice %arg2[%dma_wait3A_216, %dma_wait3A_217] : memref<10240x128xf32, #tpu.memory_space<hbm>> -> memref<10240x128xf32, #tpu.memory_space<hbm>>
      tpu.wait_indirect_dma semaphore(%arg21 : memref<!tpu.dma_semaphore, #tpu.memory_space<semaphore_mem>>) src(%dma_wait3A_218 : memref<10240x128xf32, #tpu.memory_space<hbm>>) dst(%arg15 : memref<128x128xf32, #tpu.memory_space<vmem>>)
      %dma_start3A_219 = arith.constant 384 : i32
      %dma_start3A_220 = tpu.memref_slice %arg13[%dma_start3A_219] : memref<512xi32, #tpu.memory_space<vmem>> -> memref<128xi32, #tpu.memory_space<vmem>>
      %dma_start3A_221 = arith.constant 0 : i32
      %dma_start3A_222 = arith.constant 0 : i32
      %dma_start3A_223 = tpu.memref_slice %arg18[%dma_start3A_221, %dma_start3A_222] : memref<10240x128xf32, #tpu.memory_space<vmem_shared>> -> memref<10240x128xf32, #tpu.memory_space<vmem_shared>>
      tpu.enqueue_indirect_dma source(%arg15 : memref<128x128xf32, #tpu.memory_space<vmem>>) target(%dma_start3A_223 : memref<10240x128xf32, #tpu.memory_space<vmem_shared>>) offsets(%dma_start3A_220 : memref<128xi32, #tpu.memory_space<vmem>>) semaphore(%arg23 : memref<!tpu.dma_semaphore, #tpu.memory_space<semaphore_mem>>) {add = true}
      %dma_wait3A_224 = arith.constant 256 : i32
      %dma_wait3A_225 = tpu.memref_slice %arg13[%dma_wait3A_224] : memref<512xi32, #tpu.memory_space<vmem>> -> memref<128xi32, #tpu.memory_space<vmem>>
      %dma_wait3A_226 = arith.constant 0 : i32
      %dma_wait3A_227 = arith.constant 0 : i32
      %dma_wait3A_228 = tpu.memref_slice %arg18[%dma_wait3A_226, %dma_wait3A_227] : memref<10240x128xf32, #tpu.memory_space<vmem_shared>> -> memref<10240x128xf32, #tpu.memory_space<vmem_shared>>
      tpu.wait_indirect_dma semaphore(%arg22 : memref<!tpu.dma_semaphore, #tpu.memory_space<semaphore_mem>>) src(%arg14 : memref<128x128xf32, #tpu.memory_space<vmem>>) dst(%dma_wait3A_228 : memref<10240x128xf32, #tpu.memory_space<vmem_shared>>)
      %dma_wait3A_229 = arith.constant 384 : i32
      %dma_wait3A_230 = tpu.memref_slice %arg13[%dma_wait3A_229] : memref<512xi32, #tpu.memory_space<vmem>> -> memref<128xi32, #tpu.memory_space<vmem>>
      %dma_wait3A_231 = arith.constant 0 : i32
      %dma_wait3A_232 = arith.constant 0 : i32
      %dma_wait3A_233 = tpu.memref_slice %arg18[%dma_wait3A_231, %dma_wait3A_232] : memref<10240x128xf32, #tpu.memory_space<vmem_shared>> -> memref<10240x128xf32, #tpu.memory_space<vmem_shared>>
      tpu.wait_indirect_dma semaphore(%arg23 : memref<!tpu.dma_semaphore, #tpu.memory_space<semaphore_mem>>) src(%arg15 : memref<128x128xf32, #tpu.memory_space<vmem>>) dst(%dma_wait3A_233 : memref<10240x128xf32, #tpu.memory_space<vmem_shared>>)
      %dma_wait3A_234 = arith.constant 0 : i32
      %dma_wait3A_235 = tpu.memref_slice %arg19[%dma_wait3A_234] : memref<10240xf32, #tpu.memory_space<vmem_shared>> -> memref<10240xf32, #tpu.memory_space<vmem_shared>>
      tpu.wait_indirect_dma semaphore(%arg25 : memref<!tpu.dma_semaphore, #tpu.memory_space<semaphore_mem>>) src(%arg16 : memref<512xf32, #tpu.memory_space<vmem>>) dst(%dma_wait3A_235 : memref<10240xf32, #tpu.memory_space<vmem_shared>>)
    }
    %while3A_23 = arith.constant 1 : i32
    scf.for %while3A_45 = %while3A_21 to %while3A_17 step %while3A_23  : i32 {
      %mul3A_46 = arith.constant 2 : i32
      %mul3A_47 = arith.muli %mul3A_46, %while3A_45 : i32
      %mul3A_48 = arith.constant 512 : i32
      %mul3A_49 = arith.muli %mul3A_47, %mul3A_48 : i32
      "tpu.region"() ({
        %run_scoped3A = tpu.sem_alloc : memref<!tpu.dma_semaphore, #tpu.memory_space<semaphore_mem>>
        %dma_start3A_236 = tpu.memref_slice %arg3[%add3A, %mul3A_49] : memref<32x15360xi32, #tpu.memory_space<hbm>> -> memref<1x512xi32, #tpu.memory_space<hbm>>
        %dma_start3A_237 = tpu.memref_squeeze %dma_start3A_236 : memref<1x512xi32, #tpu.memory_space<hbm>> -> memref<512xi32, #tpu.memory_space<hbm>>
        %dma_start3A_238 = tpu.memref_slice %arg3[%add3A, %mul3A_49] : memref<32x15360xi32, #tpu.memory_space<hbm>> -> memref<1x512xi32, #tpu.memory_space<hbm>>
        %dma_start3A_239 = tpu.memref_squeeze %dma_start3A_238 : memref<1x512xi32, #tpu.memory_space<hbm>> -> memref<512xi32, #tpu.memory_space<hbm>>
        tpu.enqueue_dma source(%dma_start3A_239 : memref<512xi32, #tpu.memory_space<hbm>>) target(%arg10 : memref<512xi32, #tpu.memory_space<vmem>>) target_semaphore(%run_scoped3A : memref<!tpu.dma_semaphore, #tpu.memory_space<semaphore_mem>>)
        %dma_wait3A_240 = tpu.memref_slice %arg3[%add3A, %mul3A_49] : memref<32x15360xi32, #tpu.memory_space<hbm>> -> memref<1x512xi32, #tpu.memory_space<hbm>>
        %dma_wait3A_241 = tpu.memref_squeeze %dma_wait3A_240 : memref<1x512xi32, #tpu.memory_space<hbm>> -> memref<512xi32, #tpu.memory_space<hbm>>
        %dma_wait3A_242 = tpu.memref_slice %arg3[%add3A, %mul3A_49] : memref<32x15360xi32, #tpu.memory_space<hbm>> -> memref<1x512xi32, #tpu.memory_space<hbm>>
        %dma_wait3A_243 = tpu.memref_squeeze %dma_wait3A_242 : memref<1x512xi32, #tpu.memory_space<hbm>> -> memref<512xi32, #tpu.memory_space<hbm>>
        tpu.wait_dma2 semaphore(%run_scoped3A : memref<!tpu.dma_semaphore, #tpu.memory_space<semaphore_mem>>) src(%dma_wait3A_243 : memref<512xi32, #tpu.memory_space<hbm>>) dst(%arg10 : memref<512xi32, #tpu.memory_space<vmem>>)
        tpu.yield
      }) : () -> ()
      "tpu.region"() ({
        %run_scoped3A = tpu.sem_alloc : memref<!tpu.dma_semaphore, #tpu.memory_space<semaphore_mem>>
        %dma_start3A_236 = tpu.memref_slice %arg4[%add3A, %mul3A_49] : memref<32x15360xi32, #tpu.memory_space<hbm>> -> memref<1x512xi32, #tpu.memory_space<hbm>>
        %dma_start3A_237 = tpu.memref_squeeze %dma_start3A_236 : memref<1x512xi32, #tpu.memory_space<hbm>> -> memref<512xi32, #tpu.memory_space<hbm>>
        %dma_start3A_238 = tpu.memref_slice %arg4[%add3A, %mul3A_49] : memref<32x15360xi32, #tpu.memory_space<hbm>> -> memref<1x512xi32, #tpu.memory_space<hbm>>
        %dma_start3A_239 = tpu.memref_squeeze %dma_start3A_238 : memref<1x512xi32, #tpu.memory_space<hbm>> -> memref<512xi32, #tpu.memory_space<hbm>>
        tpu.enqueue_dma source(%dma_start3A_239 : memref<512xi32, #tpu.memory_space<hbm>>) target(%arg12 : memref<512xi32, #tpu.memory_space<vmem>>) target_semaphore(%run_scoped3A : memref<!tpu.dma_semaphore, #tpu.memory_space<semaphore_mem>>)
        %dma_wait3A_240 = tpu.memref_slice %arg4[%add3A, %mul3A_49] : memref<32x15360xi32, #tpu.memory_space<hbm>> -> memref<1x512xi32, #tpu.memory_space<hbm>>
        %dma_wait3A_241 = tpu.memref_squeeze %dma_wait3A_240 : memref<1x512xi32, #tpu.memory_space<hbm>> -> memref<512xi32, #tpu.memory_space<hbm>>
        %dma_wait3A_242 = tpu.memref_slice %arg4[%add3A, %mul3A_49] : memref<32x15360xi32, #tpu.memory_space<hbm>> -> memref<1x512xi32, #tpu.memory_space<hbm>>
        %dma_wait3A_243 = tpu.memref_squeeze %dma_wait3A_242 : memref<1x512xi32, #tpu.memory_space<hbm>> -> memref<512xi32, #tpu.memory_space<hbm>>
        tpu.wait_dma2 semaphore(%run_scoped3A : memref<!tpu.dma_semaphore, #tpu.memory_space<semaphore_mem>>) src(%dma_wait3A_243 : memref<512xi32, #tpu.memory_space<hbm>>) dst(%arg12 : memref<512xi32, #tpu.memory_space<vmem>>)
        tpu.yield
      }) : () -> ()
      %add3A_50 = arith.constant 1 : i32
      %add3A_51 = arith.addi %mul3A_47, %add3A_50 : i32
      %dma_start3A = arith.constant 0 : i32
      %dma_start3A_52 = tpu.memref_slice %arg19[%dma_start3A] : memref<10240xf32, #tpu.memory_space<vmem_shared>> -> memref<10240xf32, #tpu.memory_space<vmem_shared>>
      tpu.enqueue_indirect_dma source(%arg16 : memref<512xf32, #tpu.memory_space<vmem>>) target(%dma_start3A_52 : memref<10240xf32, #tpu.memory_space<vmem_shared>>) offsets(%arg12 : memref<512xi32, #tpu.memory_space<vmem>>) semaphore(%arg25 : memref<!tpu.dma_semaphore, #tpu.memory_space<semaphore_mem>>) {add = true}
      %mul3A_53 = arith.constant 512 : i32
      %mul3A_54 = arith.muli %add3A_51, %mul3A_53 : i32
      %dma_start3A_55 = tpu.memref_slice %arg3[%add3A, %mul3A_54] : memref<32x15360xi32, #tpu.memory_space<hbm>> -> memref<1x512xi32, #tpu.memory_space<hbm>>
      %dma_start3A_56 = tpu.memref_squeeze %dma_start3A_55 : memref<1x512xi32, #tpu.memory_space<hbm>> -> memref<512xi32, #tpu.memory_space<hbm>>
      %dma_start3A_57 = tpu.memref_slice %arg3[%add3A, %mul3A_54] : memref<32x15360xi32, #tpu.memory_space<hbm>> -> memref<1x512xi32, #tpu.memory_space<hbm>>
      %dma_start3A_58 = tpu.memref_squeeze %dma_start3A_57 : memref<1x512xi32, #tpu.memory_space<hbm>> -> memref<512xi32, #tpu.memory_space<hbm>>
      tpu.enqueue_dma source(%dma_start3A_58 : memref<512xi32, #tpu.memory_space<hbm>>) target(%arg11 : memref<512xi32, #tpu.memory_space<vmem>>) target_semaphore(%arg24 : memref<!tpu.dma_semaphore, #tpu.memory_space<semaphore_mem>>)
      %dma_start3A_59 = tpu.memref_slice %arg4[%add3A, %mul3A_54] : memref<32x15360xi32, #tpu.memory_space<hbm>> -> memref<1x512xi32, #tpu.memory_space<hbm>>
      %dma_start3A_60 = tpu.memref_squeeze %dma_start3A_59 : memref<1x512xi32, #tpu.memory_space<hbm>> -> memref<512xi32, #tpu.memory_space<hbm>>
      %dma_start3A_61 = tpu.memref_slice %arg4[%add3A, %mul3A_54] : memref<32x15360xi32, #tpu.memory_space<hbm>> -> memref<1x512xi32, #tpu.memory_space<hbm>>
      %dma_start3A_62 = tpu.memref_squeeze %dma_start3A_61 : memref<1x512xi32, #tpu.memory_space<hbm>> -> memref<512xi32, #tpu.memory_space<hbm>>
      tpu.enqueue_dma source(%dma_start3A_62 : memref<512xi32, #tpu.memory_space<hbm>>) target(%arg13 : memref<512xi32, #tpu.memory_space<vmem>>) target_semaphore(%arg24 : memref<!tpu.dma_semaphore, #tpu.memory_space<semaphore_mem>>)
      %dma_start3A_63 = arith.constant 0 : i32
      %dma_start3A_64 = tpu.memref_slice %arg10[%dma_start3A_63] : memref<512xi32, #tpu.memory_space<vmem>> -> memref<128xi32, #tpu.memory_space<vmem>>
      %dma_start3A_65 = arith.constant 0 : i32
      %dma_start3A_66 = arith.constant 0 : i32
      %dma_start3A_67 = tpu.memref_slice %arg2[%dma_start3A_65, %dma_start3A_66] : memref<10240x128xf32, #tpu.memory_space<hbm>> -> memref<10240x128xf32, #tpu.memory_space<hbm>>
      tpu.enqueue_indirect_dma source(%dma_start3A_67 : memref<10240x128xf32, #tpu.memory_space<hbm>>) target(%arg14 : memref<128x128xf32, #tpu.memory_space<vmem>>) offsets(%dma_start3A_64 : memref<128xi32, #tpu.memory_space<vmem>>) semaphore(%arg20 : memref<!tpu.dma_semaphore, #tpu.memory_space<semaphore_mem>>)
      %dma_start3A_68 = arith.constant 128 : i32
      %dma_start3A_69 = tpu.memref_slice %arg10[%dma_start3A_68] : memref<512xi32, #tpu.memory_space<vmem>> -> memref<128xi32, #tpu.memory_space<vmem>>
      %dma_start3A_70 = arith.constant 0 : i32
      %dma_start3A_71 = arith.constant 0 : i32
      %dma_start3A_72 = tpu.memref_slice %arg2[%dma_start3A_70, %dma_start3A_71] : memref<10240x128xf32, #tpu.memory_space<hbm>> -> memref<10240x128xf32, #tpu.memory_space<hbm>>
      tpu.enqueue_indirect_dma source(%dma_start3A_72 : memref<10240x128xf32, #tpu.memory_space<hbm>>) target(%arg15 : memref<128x128xf32, #tpu.memory_space<vmem>>) offsets(%dma_start3A_69 : memref<128xi32, #tpu.memory_space<vmem>>) semaphore(%arg21 : memref<!tpu.dma_semaphore, #tpu.memory_space<semaphore_mem>>)
      %dma_wait3A = arith.constant 0 : i32
      %dma_wait3A_73 = tpu.memref_slice %arg10[%dma_wait3A] : memref<512xi32, #tpu.memory_space<vmem>> -> memref<128xi32, #tpu.memory_space<vmem>>
      %dma_wait3A_74 = arith.constant 0 : i32
      %dma_wait3A_75 = arith.constant 0 : i32
      %dma_wait3A_76 = tpu.memref_slice %arg2[%dma_wait3A_74, %dma_wait3A_75] : memref<10240x128xf32, #tpu.memory_space<hbm>> -> memref<10240x128xf32, #tpu.memory_space<hbm>>
      tpu.wait_indirect_dma semaphore(%arg20 : memref<!tpu.dma_semaphore, #tpu.memory_space<semaphore_mem>>) src(%dma_wait3A_76 : memref<10240x128xf32, #tpu.memory_space<hbm>>) dst(%arg14 : memref<128x128xf32, #tpu.memory_space<vmem>>)
      %dma_start3A_77 = arith.constant 0 : i32
      %dma_start3A_78 = tpu.memref_slice %arg12[%dma_start3A_77] : memref<512xi32, #tpu.memory_space<vmem>> -> memref<128xi32, #tpu.memory_space<vmem>>
      %dma_start3A_79 = arith.constant 0 : i32
      %dma_start3A_80 = arith.constant 0 : i32
      %dma_start3A_81 = tpu.memref_slice %arg18[%dma_start3A_79, %dma_start3A_80] : memref<10240x128xf32, #tpu.memory_space<vmem_shared>> -> memref<10240x128xf32, #tpu.memory_space<vmem_shared>>
      tpu.enqueue_indirect_dma source(%arg14 : memref<128x128xf32, #tpu.memory_space<vmem>>) target(%dma_start3A_81 : memref<10240x128xf32, #tpu.memory_space<vmem_shared>>) offsets(%dma_start3A_78 : memref<128xi32, #tpu.memory_space<vmem>>) semaphore(%arg22 : memref<!tpu.dma_semaphore, #tpu.memory_space<semaphore_mem>>) {add = true}
      %dma_wait3A_82 = arith.constant 128 : i32
      %dma_wait3A_83 = tpu.memref_slice %arg10[%dma_wait3A_82] : memref<512xi32, #tpu.memory_space<vmem>> -> memref<128xi32, #tpu.memory_space<vmem>>
      %dma_wait3A_84 = arith.constant 0 : i32
      %dma_wait3A_85 = arith.constant 0 : i32
      %dma_wait3A_86 = tpu.memref_slice %arg2[%dma_wait3A_84, %dma_wait3A_85] : memref<10240x128xf32, #tpu.memory_space<hbm>> -> memref<10240x128xf32, #tpu.memory_space<hbm>>
      tpu.wait_indirect_dma semaphore(%arg21 : memref<!tpu.dma_semaphore, #tpu.memory_space<semaphore_mem>>) src(%dma_wait3A_86 : memref<10240x128xf32, #tpu.memory_space<hbm>>) dst(%arg15 : memref<128x128xf32, #tpu.memory_space<vmem>>)
      %dma_start3A_87 = arith.constant 128 : i32
      %dma_start3A_88 = tpu.memref_slice %arg12[%dma_start3A_87] : memref<512xi32, #tpu.memory_space<vmem>> -> memref<128xi32, #tpu.memory_space<vmem>>
      %dma_start3A_89 = arith.constant 0 : i32
      %dma_start3A_90 = arith.constant 0 : i32
      %dma_start3A_91 = tpu.memref_slice %arg18[%dma_start3A_89, %dma_start3A_90] : memref<10240x128xf32, #tpu.memory_space<vmem_shared>> -> memref<10240x128xf32, #tpu.memory_space<vmem_shared>>
      tpu.enqueue_indirect_dma source(%arg15 : memref<128x128xf32, #tpu.memory_space<vmem>>) target(%dma_start3A_91 : memref<10240x128xf32, #tpu.memory_space<vmem_shared>>) offsets(%dma_start3A_88 : memref<128xi32, #tpu.memory_space<vmem>>) semaphore(%arg23 : memref<!tpu.dma_semaphore, #tpu.memory_space<semaphore_mem>>) {add = true}
      %dma_wait3A_92 = arith.constant 0 : i32
      %dma_wait3A_93 = tpu.memref_slice %arg12[%dma_wait3A_92] : memref<512xi32, #tpu.memory_space<vmem>> -> memref<128xi32, #tpu.memory_space<vmem>>
      %dma_wait3A_94 = arith.constant 0 : i32
      %dma_wait3A_95 = arith.constant 0 : i32
      %dma_wait3A_96 = tpu.memref_slice %arg18[%dma_wait3A_94, %dma_wait3A_95] : memref<10240x128xf32, #tpu.memory_space<vmem_shared>> -> memref<10240x128xf32, #tpu.memory_space<vmem_shared>>
      tpu.wait_indirect_dma semaphore(%arg22 : memref<!tpu.dma_semaphore, #tpu.memory_space<semaphore_mem>>) src(%arg14 : memref<128x128xf32, #tpu.memory_space<vmem>>) dst(%dma_wait3A_96 : memref<10240x128xf32, #tpu.memory_space<vmem_shared>>)
      %dma_start3A_97 = arith.constant 256 : i32
      %dma_start3A_98 = tpu.memref_slice %arg10[%dma_start3A_97] : memref<512xi32, #tpu.memory_space<vmem>> -> memref<128xi32, #tpu.memory_space<vmem>>
      %dma_start3A_99 = arith.constant 0 : i32
      %dma_start3A_100 = arith.constant 0 : i32
      %dma_start3A_101 = tpu.memref_slice %arg2[%dma_start3A_99, %dma_start3A_100] : memref<10240x128xf32, #tpu.memory_space<hbm>> -> memref<10240x128xf32, #tpu.memory_space<hbm>>
      tpu.enqueue_indirect_dma source(%dma_start3A_101 : memref<10240x128xf32, #tpu.memory_space<hbm>>) target(%arg14 : memref<128x128xf32, #tpu.memory_space<vmem>>) offsets(%dma_start3A_98 : memref<128xi32, #tpu.memory_space<vmem>>) semaphore(%arg20 : memref<!tpu.dma_semaphore, #tpu.memory_space<semaphore_mem>>)
      %dma_wait3A_102 = arith.constant 256 : i32
      %dma_wait3A_103 = tpu.memref_slice %arg10[%dma_wait3A_102] : memref<512xi32, #tpu.memory_space<vmem>> -> memref<128xi32, #tpu.memory_space<vmem>>
      %dma_wait3A_104 = arith.constant 0 : i32
      %dma_wait3A_105 = arith.constant 0 : i32
      %dma_wait3A_106 = tpu.memref_slice %arg2[%dma_wait3A_104, %dma_wait3A_105] : memref<10240x128xf32, #tpu.memory_space<hbm>> -> memref<10240x128xf32, #tpu.memory_space<hbm>>
      tpu.wait_indirect_dma semaphore(%arg20 : memref<!tpu.dma_semaphore, #tpu.memory_space<semaphore_mem>>) src(%dma_wait3A_106 : memref<10240x128xf32, #tpu.memory_space<hbm>>) dst(%arg14 : memref<128x128xf32, #tpu.memory_space<vmem>>)
      %dma_start3A_107 = arith.constant 256 : i32
      %dma_start3A_108 = tpu.memref_slice %arg12[%dma_start3A_107] : memref<512xi32, #tpu.memory_space<vmem>> -> memref<128xi32, #tpu.memory_space<vmem>>
      %dma_start3A_109 = arith.constant 0 : i32
      %dma_start3A_110 = arith.constant 0 : i32
      %dma_start3A_111 = tpu.memref_slice %arg18[%dma_start3A_109, %dma_start3A_110] : memref<10240x128xf32, #tpu.memory_space<vmem_shared>> -> memref<10240x128xf32, #tpu.memory_space<vmem_shared>>
      tpu.enqueue_indirect_dma source(%arg14 : memref<128x128xf32, #tpu.memory_space<vmem>>) target(%dma_start3A_111 : memref<10240x128xf32, #tpu.memory_space<vmem_shared>>) offsets(%dma_start3A_108 : memref<128xi32, #tpu.memory_space<vmem>>) semaphore(%arg22 : memref<!tpu.dma_semaphore, #tpu.memory_space<semaphore_mem>>) {add = true}
      %dma_wait3A_112 = arith.constant 128 : i32
      %dma_wait3A_113 = tpu.memref_slice %arg12[%dma_wait3A_112] : memref<512xi32, #tpu.memory_space<vmem>> -> memref<128xi32, #tpu.memory_space<vmem>>
      %dma_wait3A_114 = arith.constant 0 : i32
      %dma_wait3A_115 = arith.constant 0 : i32
      %dma_wait3A_116 = tpu.memref_slice %arg18[%dma_wait3A_114, %dma_wait3A_115] : memref<10240x128xf32, #tpu.memory_space<vmem_shared>> -> memref<10240x128xf32, #tpu.memory_space<vmem_shared>>
      tpu.wait_indirect_dma semaphore(%arg23 : memref<!tpu.dma_semaphore, #tpu.memory_space<semaphore_mem>>) src(%arg15 : memref<128x128xf32, #tpu.memory_space<vmem>>) dst(%dma_wait3A_116 : memref<10240x128xf32, #tpu.memory_space<vmem_shared>>)
      %dma_start3A_117 = arith.constant 384 : i32
      %dma_start3A_118 = tpu.memref_slice %arg10[%dma_start3A_117] : memref<512xi32, #tpu.memory_space<vmem>> -> memref<128xi32, #tpu.memory_space<vmem>>
      %dma_start3A_119 = arith.constant 0 : i32
      %dma_start3A_120 = arith.constant 0 : i32
      %dma_start3A_121 = tpu.memref_slice %arg2[%dma_start3A_119, %dma_start3A_120] : memref<10240x128xf32, #tpu.memory_space<hbm>> -> memref<10240x128xf32, #tpu.memory_space<hbm>>
      tpu.enqueue_indirect_dma source(%dma_start3A_121 : memref<10240x128xf32, #tpu.memory_space<hbm>>) target(%arg15 : memref<128x128xf32, #tpu.memory_space<vmem>>) offsets(%dma_start3A_118 : memref<128xi32, #tpu.memory_space<vmem>>) semaphore(%arg21 : memref<!tpu.dma_semaphore, #tpu.memory_space<semaphore_mem>>)
      %dma_wait3A_122 = arith.constant 384 : i32
      %dma_wait3A_123 = tpu.memref_slice %arg10[%dma_wait3A_122] : memref<512xi32, #tpu.memory_space<vmem>> -> memref<128xi32, #tpu.memory_space<vmem>>
      %dma_wait3A_124 = arith.constant 0 : i32
      %dma_wait3A_125 = arith.constant 0 : i32
      %dma_wait3A_126 = tpu.memref_slice %arg2[%dma_wait3A_124, %dma_wait3A_125] : memref<10240x128xf32, #tpu.memory_space<hbm>> -> memref<10240x128xf32, #tpu.memory_space<hbm>>
      tpu.wait_indirect_dma semaphore(%arg21 : memref<!tpu.dma_semaphore, #tpu.memory_space<semaphore_mem>>) src(%dma_wait3A_126 : memref<10240x128xf32, #tpu.memory_space<hbm>>) dst(%arg15 : memref<128x128xf32, #tpu.memory_space<vmem>>)
      %dma_start3A_127 = arith.constant 384 : i32
      %dma_start3A_128 = tpu.memref_slice %arg12[%dma_start3A_127] : memref<512xi32, #tpu.memory_space<vmem>> -> memref<128xi32, #tpu.memory_space<vmem>>
      %dma_start3A_129 = arith.constant 0 : i32
      %dma_start3A_130 = arith.constant 0 : i32
      %dma_start3A_131 = tpu.memref_slice %arg18[%dma_start3A_129, %dma_start3A_130] : memref<10240x128xf32, #tpu.memory_space<vmem_shared>> -> memref<10240x128xf32, #tpu.memory_space<vmem_shared>>
      tpu.enqueue_indirect_dma source(%arg15 : memref<128x128xf32, #tpu.memory_space<vmem>>) target(%dma_start3A_131 : memref<10240x128xf32, #tpu.memory_space<vmem_shared>>) offsets(%dma_start3A_128 : memref<128xi32, #tpu.memory_space<vmem>>) semaphore(%arg23 : memref<!tpu.dma_semaphore, #tpu.memory_space<semaphore_mem>>) {add = true}
      %dma_wait3A_132 = arith.constant 256 : i32
      %dma_wait3A_133 = tpu.memref_slice %arg12[%dma_wait3A_132] : memref<512xi32, #tpu.memory_space<vmem>> -> memref<128xi32, #tpu.memory_space<vmem>>
      %dma_wait3A_134 = arith.constant 0 : i32
      %dma_wait3A_135 = arith.constant 0 : i32
      %dma_wait3A_136 = tpu.memref_slice %arg18[%dma_wait3A_134, %dma_wait3A_135] : memref<10240x128xf32, #tpu.memory_space<vmem_shared>> -> memref<10240x128xf32, #tpu.memory_space<vmem_shared>>
      tpu.wait_indirect_dma semaphore(%arg22 : memref<!tpu.dma_semaphore, #tpu.memory_space<semaphore_mem>>) src(%arg14 : memref<128x128xf32, #tpu.memory_space<vmem>>) dst(%dma_wait3A_136 : memref<10240x128xf32, #tpu.memory_space<vmem_shared>>)
      %dma_wait3A_137 = arith.constant 384 : i32
      %dma_wait3A_138 = tpu.memref_slice %arg12[%dma_wait3A_137] : memref<512xi32, #tpu.memory_space<vmem>> -> memref<128xi32, #tpu.memory_space<vmem>>
      %dma_wait3A_139 = arith.constant 0 : i32
      %dma_wait3A_140 = arith.constant 0 : i32
      %dma_wait3A_141 = tpu.memref_slice %arg18[%dma_wait3A_139, %dma_wait3A_140] : memref<10240x128xf32, #tpu.memory_space<vmem_shared>> -> memref<10240x128xf32, #tpu.memory_space<vmem_shared>>
      tpu.wait_indirect_dma semaphore(%arg23 : memref<!tpu.dma_semaphore, #tpu.memory_space<semaphore_mem>>) src(%arg15 : memref<128x128xf32, #tpu.memory_space<vmem>>) dst(%dma_wait3A_141 : memref<10240x128xf32, #tpu.memory_space<vmem_shared>>)
      %dma_wait3A_142 = arith.constant 0 : i32
      %dma_wait3A_143 = tpu.memref_slice %arg19[%dma_wait3A_142] : memref<10240xf32, #tpu.memory_space<vmem_shared>> -> memref<10240xf32, #tpu.memory_space<vmem_shared>>
      tpu.wait_indirect_dma semaphore(%arg25 : memref<!tpu.dma_semaphore, #tpu.memory_space<semaphore_mem>>) src(%arg16 : memref<512xf32, #tpu.memory_space<vmem>>) dst(%dma_wait3A_143 : memref<10240xf32, #tpu.memory_space<vmem_shared>>)
      %dma_wait3A_144 = tpu.memref_slice %arg3[%add3A, %mul3A_54] : memref<32x15360xi32, #tpu.memory_space<hbm>> -> memref<1x512xi32, #tpu.memory_space<hbm>>
      %dma_wait3A_145 = tpu.memref_squeeze %dma_wait3A_144 : memref<1x512xi32, #tpu.memory_space<hbm>> -> memref<512xi32, #tpu.memory_space<hbm>>
      %dma_wait3A_146 = tpu.memref_slice %arg3[%add3A, %mul3A_54] : memref<32x15360xi32, #tpu.memory_space<hbm>> -> memref<1x512xi32, #tpu.memory_space<hbm>>
      %dma_wait3A_147 = tpu.memref_squeeze %dma_wait3A_146 : memref<1x512xi32, #tpu.memory_space<hbm>> -> memref<512xi32, #tpu.memory_space<hbm>>
      tpu.wait_dma2 semaphore(%arg24 : memref<!tpu.dma_semaphore, #tpu.memory_space<semaphore_mem>>) src(%dma_wait3A_147 : memref<512xi32, #tpu.memory_space<hbm>>) dst(%arg11 : memref<512xi32, #tpu.memory_space<vmem>>)
      %dma_wait3A_148 = tpu.memref_slice %arg4[%add3A, %mul3A_54] : memref<32x15360xi32, #tpu.memory_space<hbm>> -> memref<1x512xi32, #tpu.memory_space<hbm>>
      %dma_wait3A_149 = tpu.memref_squeeze %dma_wait3A_148 : memref<1x512xi32, #tpu.memory_space<hbm>> -> memref<512xi32, #tpu.memory_space<hbm>>
      %dma_wait3A_150 = tpu.memref_slice %arg4[%add3A, %mul3A_54] : memref<32x15360xi32, #tpu.memory_space<hbm>> -> memref<1x512xi32, #tpu.memory_space<hbm>>
      %dma_wait3A_151 = tpu.memref_squeeze %dma_wait3A_150 : memref<1x512xi32, #tpu.memory_space<hbm>> -> memref<512xi32, #tpu.memory_space<hbm>>
      tpu.wait_dma2 semaphore(%arg24 : memref<!tpu.dma_semaphore, #tpu.memory_space<semaphore_mem>>) src(%dma_wait3A_151 : memref<512xi32, #tpu.memory_space<hbm>>) dst(%arg13 : memref<512xi32, #tpu.memory_space<vmem>>)
      %dma_start3A_152 = arith.constant 0 : i32
      %dma_start3A_153 = tpu.memref_slice %arg19[%dma_start3A_152] : memref<10240xf32, #tpu.memory_space<vmem_shared>> -> memref<10240xf32, #tpu.memory_space<vmem_shared>>
      tpu.enqueue_indirect_dma source(%arg16 : memref<512xf32, #tpu.memory_space<vmem>>) target(%dma_start3A_153 : memref<10240xf32, #tpu.memory_space<vmem_shared>>) offsets(%arg13 : memref<512xi32, #tpu.memory_space<vmem>>) semaphore(%arg25 : memref<!tpu.dma_semaphore, #tpu.memory_space<semaphore_mem>>) {add = true}
      %dma_start3A_154 = arith.constant 0 : i32
      %dma_start3A_155 = tpu.memref_slice %arg11[%dma_start3A_154] : memref<512xi32, #tpu.memory_space<vmem>> -> memref<128xi32, #tpu.memory_space<vmem>>
      %dma_start3A_156 = arith.constant 0 : i32
      %dma_start3A_157 = arith.constant 0 : i32
      %dma_start3A_158 = tpu.memref_slice %arg2[%dma_start3A_156, %dma_start3A_157] : memref<10240x128xf32, #tpu.memory_space<hbm>> -> memref<10240x128xf32, #tpu.memory_space<hbm>>
      tpu.enqueue_indirect_dma source(%dma_start3A_158 : memref<10240x128xf32, #tpu.memory_space<hbm>>) target(%arg14 : memref<128x128xf32, #tpu.memory_space<vmem>>) offsets(%dma_start3A_155 : memref<128xi32, #tpu.memory_space<vmem>>) semaphore(%arg20 : memref<!tpu.dma_semaphore, #tpu.memory_space<semaphore_mem>>)
      %dma_start3A_159 = arith.constant 128 : i32
      %dma_start3A_160 = tpu.memref_slice %arg11[%dma_start3A_159] : memref<512xi32, #tpu.memory_space<vmem>> -> memref<128xi32, #tpu.memory_space<vmem>>
      %dma_start3A_161 = arith.constant 0 : i32
      %dma_start3A_162 = arith.constant 0 : i32
      %dma_start3A_163 = tpu.memref_slice %arg2[%dma_start3A_161, %dma_start3A_162] : memref<10240x128xf32, #tpu.memory_space<hbm>> -> memref<10240x128xf32, #tpu.memory_space<hbm>>
      tpu.enqueue_indirect_dma source(%dma_start3A_163 : memref<10240x128xf32, #tpu.memory_space<hbm>>) target(%arg15 : memref<128x128xf32, #tpu.memory_space<vmem>>) offsets(%dma_start3A_160 : memref<128xi32, #tpu.memory_space<vmem>>) semaphore(%arg21 : memref<!tpu.dma_semaphore, #tpu.memory_space<semaphore_mem>>)
      %dma_wait3A_164 = arith.constant 0 : i32
      %dma_wait3A_165 = tpu.memref_slice %arg11[%dma_wait3A_164] : memref<512xi32, #tpu.memory_space<vmem>> -> memref<128xi32, #tpu.memory_space<vmem>>
      %dma_wait3A_166 = arith.constant 0 : i32
      %dma_wait3A_167 = arith.constant 0 : i32
      %dma_wait3A_168 = tpu.memref_slice %arg2[%dma_wait3A_166, %dma_wait3A_167] : memref<10240x128xf32, #tpu.memory_space<hbm>> -> memref<10240x128xf32, #tpu.memory_space<hbm>>
      tpu.wait_indirect_dma semaphore(%arg20 : memref<!tpu.dma_semaphore, #tpu.memory_space<semaphore_mem>>) src(%dma_wait3A_168 : memref<10240x128xf32, #tpu.memory_space<hbm>>) dst(%arg14 : memref<128x128xf32, #tpu.memory_space<vmem>>)
      %dma_start3A_169 = arith.constant 0 : i32
      %dma_start3A_170 = tpu.memref_slice %arg13[%dma_start3A_169] : memref<512xi32, #tpu.memory_space<vmem>> -> memref<128xi32, #tpu.memory_space<vmem>>
      %dma_start3A_171 = arith.constant 0 : i32
      %dma_start3A_172 = arith.constant 0 : i32
      %dma_start3A_173 = tpu.memref_slice %arg18[%dma_start3A_171, %dma_start3A_172] : memref<10240x128xf32, #tpu.memory_space<vmem_shared>> -> memref<10240x128xf32, #tpu.memory_space<vmem_shared>>
      tpu.enqueue_indirect_dma source(%arg14 : memref<128x128xf32, #tpu.memory_space<vmem>>) target(%dma_start3A_173 : memref<10240x128xf32, #tpu.memory_space<vmem_shared>>) offsets(%dma_start3A_170 : memref<128xi32, #tpu.memory_space<vmem>>) semaphore(%arg22 : memref<!tpu.dma_semaphore, #tpu.memory_space<semaphore_mem>>) {add = true}
      %dma_wait3A_174 = arith.constant 128 : i32
      %dma_wait3A_175 = tpu.memref_slice %arg11[%dma_wait3A_174] : memref<512xi32, #tpu.memory_space<vmem>> -> memref<128xi32, #tpu.memory_space<vmem>>
      %dma_wait3A_176 = arith.constant 0 : i32
      %dma_wait3A_177 = arith.constant 0 : i32
      %dma_wait3A_178 = tpu.memref_slice %arg2[%dma_wait3A_176, %dma_wait3A_177] : memref<10240x128xf32, #tpu.memory_space<hbm>> -> memref<10240x128xf32, #tpu.memory_space<hbm>>
      tpu.wait_indirect_dma semaphore(%arg21 : memref<!tpu.dma_semaphore, #tpu.memory_space<semaphore_mem>>) src(%dma_wait3A_178 : memref<10240x128xf32, #tpu.memory_space<hbm>>) dst(%arg15 : memref<128x128xf32, #tpu.memory_space<vmem>>)
      %dma_start3A_179 = arith.constant 128 : i32
      %dma_start3A_180 = tpu.memref_slice %arg13[%dma_start3A_179] : memref<512xi32, #tpu.memory_space<vmem>> -> memref<128xi32, #tpu.memory_space<vmem>>
      %dma_start3A_181 = arith.constant 0 : i32
      %dma_start3A_182 = arith.constant 0 : i32
      %dma_start3A_183 = tpu.memref_slice %arg18[%dma_start3A_181, %dma_start3A_182] : memref<10240x128xf32, #tpu.memory_space<vmem_shared>> -> memref<10240x128xf32, #tpu.memory_space<vmem_shared>>
      tpu.enqueue_indirect_dma source(%arg15 : memref<128x128xf32, #tpu.memory_space<vmem>>) target(%dma_start3A_183 : memref<10240x128xf32, #tpu.memory_space<vmem_shared>>) offsets(%dma_start3A_180 : memref<128xi32, #tpu.memory_space<vmem>>) semaphore(%arg23 : memref<!tpu.dma_semaphore, #tpu.memory_space<semaphore_mem>>) {add = true}
      %dma_wait3A_184 = arith.constant 0 : i32
      %dma_wait3A_185 = tpu.memref_slice %arg13[%dma_wait3A_184] : memref<512xi32, #tpu.memory_space<vmem>> -> memref<128xi32, #tpu.memory_space<vmem>>
      %dma_wait3A_186 = arith.constant 0 : i32
      %dma_wait3A_187 = arith.constant 0 : i32
      %dma_wait3A_188 = tpu.memref_slice %arg18[%dma_wait3A_186, %dma_wait3A_187] : memref<10240x128xf32, #tpu.memory_space<vmem_shared>> -> memref<10240x128xf32, #tpu.memory_space<vmem_shared>>
      tpu.wait_indirect_dma semaphore(%arg22 : memref<!tpu.dma_semaphore, #tpu.memory_space<semaphore_mem>>) src(%arg14 : memref<128x128xf32, #tpu.memory_space<vmem>>) dst(%dma_wait3A_188 : memref<10240x128xf32, #tpu.memory_space<vmem_shared>>)
      %dma_start3A_189 = arith.constant 256 : i32
      %dma_start3A_190 = tpu.memref_slice %arg11[%dma_start3A_189] : memref<512xi32, #tpu.memory_space<vmem>> -> memref<128xi32, #tpu.memory_space<vmem>>
      %dma_start3A_191 = arith.constant 0 : i32
      %dma_start3A_192 = arith.constant 0 : i32
      %dma_start3A_193 = tpu.memref_slice %arg2[%dma_start3A_191, %dma_start3A_192] : memref<10240x128xf32, #tpu.memory_space<hbm>> -> memref<10240x128xf32, #tpu.memory_space<hbm>>
      tpu.enqueue_indirect_dma source(%dma_start3A_193 : memref<10240x128xf32, #tpu.memory_space<hbm>>) target(%arg14 : memref<128x128xf32, #tpu.memory_space<vmem>>) offsets(%dma_start3A_190 : memref<128xi32, #tpu.memory_space<vmem>>) semaphore(%arg20 : memref<!tpu.dma_semaphore, #tpu.memory_space<semaphore_mem>>)
      %dma_wait3A_194 = arith.constant 256 : i32
      %dma_wait3A_195 = tpu.memref_slice %arg11[%dma_wait3A_194] : memref<512xi32, #tpu.memory_space<vmem>> -> memref<128xi32, #tpu.memory_space<vmem>>
      %dma_wait3A_196 = arith.constant 0 : i32
      %dma_wait3A_197 = arith.constant 0 : i32
      %dma_wait3A_198 = tpu.memref_slice %arg2[%dma_wait3A_196, %dma_wait3A_197] : memref<10240x128xf32, #tpu.memory_space<hbm>> -> memref<10240x128xf32, #tpu.memory_space<hbm>>
      tpu.wait_indirect_dma semaphore(%arg20 : memref<!tpu.dma_semaphore, #tpu.memory_space<semaphore_mem>>) src(%dma_wait3A_198 : memref<10240x128xf32, #tpu.memory_space<hbm>>) dst(%arg14 : memref<128x128xf32, #tpu.memory_space<vmem>>)
      %dma_start3A_199 = arith.constant 256 : i32
      %dma_start3A_200 = tpu.memref_slice %arg13[%dma_start3A_199] : memref<512xi32, #tpu.memory_space<vmem>> -> memref<128xi32, #tpu.memory_space<vmem>>
      %dma_start3A_201 = arith.constant 0 : i32
      %dma_start3A_202 = arith.constant 0 : i32
      %dma_start3A_203 = tpu.memref_slice %arg18[%dma_start3A_201, %dma_start3A_202] : memref<10240x128xf32, #tpu.memory_space<vmem_shared>> -> memref<10240x128xf32, #tpu.memory_space<vmem_shared>>
      tpu.enqueue_indirect_dma source(%arg14 : memref<128x128xf32, #tpu.memory_space<vmem>>) target(%dma_start3A_203 : memref<10240x128xf32, #tpu.memory_space<vmem_shared>>) offsets(%dma_start3A_200 : memref<128xi32, #tpu.memory_space<vmem>>) semaphore(%arg22 : memref<!tpu.dma_semaphore, #tpu.memory_space<semaphore_mem>>) {add = true}
      %dma_wait3A_204 = arith.constant 128 : i32
      %dma_wait3A_205 = tpu.memref_slice %arg13[%dma_wait3A_204] : memref<512xi32, #tpu.memory_space<vmem>> -> memref<128xi32, #tpu.memory_space<vmem>>
      %dma_wait3A_206 = arith.constant 0 : i32
      %dma_wait3A_207 = arith.constant 0 : i32
      %dma_wait3A_208 = tpu.memref_slice %arg18[%dma_wait3A_206, %dma_wait3A_207] : memref<10240x128xf32, #tpu.memory_space<vmem_shared>> -> memref<10240x128xf32, #tpu.memory_space<vmem_shared>>
      tpu.wait_indirect_dma semaphore(%arg23 : memref<!tpu.dma_semaphore, #tpu.memory_space<semaphore_mem>>) src(%arg15 : memref<128x128xf32, #tpu.memory_space<vmem>>) dst(%dma_wait3A_208 : memref<10240x128xf32, #tpu.memory_space<vmem_shared>>)
      %dma_start3A_209 = arith.constant 384 : i32
      %dma_start3A_210 = tpu.memref_slice %arg11[%dma_start3A_209] : memref<512xi32, #tpu.memory_space<vmem>> -> memref<128xi32, #tpu.memory_space<vmem>>
      %dma_start3A_211 = arith.constant 0 : i32
      %dma_start3A_212 = arith.constant 0 : i32
      %dma_start3A_213 = tpu.memref_slice %arg2[%dma_start3A_211, %dma_start3A_212] : memref<10240x128xf32, #tpu.memory_space<hbm>> -> memref<10240x128xf32, #tpu.memory_space<hbm>>
      tpu.enqueue_indirect_dma source(%dma_start3A_213 : memref<10240x128xf32, #tpu.memory_space<hbm>>) target(%arg15 : memref<128x128xf32, #tpu.memory_space<vmem>>) offsets(%dma_start3A_210 : memref<128xi32, #tpu.memory_space<vmem>>) semaphore(%arg21 : memref<!tpu.dma_semaphore, #tpu.memory_space<semaphore_mem>>)
      %dma_wait3A_214 = arith.constant 384 : i32
      %dma_wait3A_215 = tpu.memref_slice %arg11[%dma_wait3A_214] : memref<512xi32, #tpu.memory_space<vmem>> -> memref<128xi32, #tpu.memory_space<vmem>>
      %dma_wait3A_216 = arith.constant 0 : i32
      %dma_wait3A_217 = arith.constant 0 : i32
      %dma_wait3A_218 = tpu.memref_slice %arg2[%dma_wait3A_216, %dma_wait3A_217] : memref<10240x128xf32, #tpu.memory_space<hbm>> -> memref<10240x128xf32, #tpu.memory_space<hbm>>
      tpu.wait_indirect_dma semaphore(%arg21 : memref<!tpu.dma_semaphore, #tpu.memory_space<semaphore_mem>>) src(%dma_wait3A_218 : memref<10240x128xf32, #tpu.memory_space<hbm>>) dst(%arg15 : memref<128x128xf32, #tpu.memory_space<vmem>>)
      %dma_start3A_219 = arith.constant 384 : i32
      %dma_start3A_220 = tpu.memref_slice %arg13[%dma_start3A_219] : memref<512xi32, #tpu.memory_space<vmem>> -> memref<128xi32, #tpu.memory_space<vmem>>
      %dma_start3A_221 = arith.constant 0 : i32
      %dma_start3A_222 = arith.constant 0 : i32
      %dma_start3A_223 = tpu.memref_slice %arg18[%dma_start3A_221, %dma_start3A_222] : memref<10240x128xf32, #tpu.memory_space<vmem_shared>> -> memref<10240x128xf32, #tpu.memory_space<vmem_shared>>
      tpu.enqueue_indirect_dma source(%arg15 : memref<128x128xf32, #tpu.memory_space<vmem>>) target(%dma_start3A_223 : memref<10240x128xf32, #tpu.memory_space<vmem_shared>>) offsets(%dma_start3A_220 : memref<128xi32, #tpu.memory_space<vmem>>) semaphore(%arg23 : memref<!tpu.dma_semaphore, #tpu.memory_space<semaphore_mem>>) {add = true}
      %dma_wait3A_224 = arith.constant 256 : i32
      %dma_wait3A_225 = tpu.memref_slice %arg13[%dma_wait3A_224] : memref<512xi32, #tpu.memory_space<vmem>> -> memref<128xi32, #tpu.memory_space<vmem>>
      %dma_wait3A_226 = arith.constant 0 : i32
      %dma_wait3A_227 = arith.constant 0 : i32
      %dma_wait3A_228 = tpu.memref_slice %arg18[%dma_wait3A_226, %dma_wait3A_227] : memref<10240x128xf32, #tpu.memory_space<vmem_shared>> -> memref<10240x128xf32, #tpu.memory_space<vmem_shared>>
      tpu.wait_indirect_dma semaphore(%arg22 : memref<!tpu.dma_semaphore, #tpu.memory_space<semaphore_mem>>) src(%arg14 : memref<128x128xf32, #tpu.memory_space<vmem>>) dst(%dma_wait3A_228 : memref<10240x128xf32, #tpu.memory_space<vmem_shared>>)
      %dma_wait3A_229 = arith.constant 384 : i32
      %dma_wait3A_230 = tpu.memref_slice %arg13[%dma_wait3A_229] : memref<512xi32, #tpu.memory_space<vmem>> -> memref<128xi32, #tpu.memory_space<vmem>>
      %dma_wait3A_231 = arith.constant 0 : i32
      %dma_wait3A_232 = arith.constant 0 : i32
      %dma_wait3A_233 = tpu.memref_slice %arg18[%dma_wait3A_231, %dma_wait3A_232] : memref<10240x128xf32, #tpu.memory_space<vmem_shared>> -> memref<10240x128xf32, #tpu.memory_space<vmem_shared>>
      tpu.wait_indirect_dma semaphore(%arg23 : memref<!tpu.dma_semaphore, #tpu.memory_space<semaphore_mem>>) src(%arg15 : memref<128x128xf32, #tpu.memory_space<vmem>>) dst(%dma_wait3A_233 : memref<10240x128xf32, #tpu.memory_space<vmem_shared>>)
      %dma_wait3A_234 = arith.constant 0 : i32
      %dma_wait3A_235 = tpu.memref_slice %arg19[%dma_wait3A_234] : memref<10240xf32, #tpu.memory_space<vmem_shared>> -> memref<10240xf32, #tpu.memory_space<vmem_shared>>
      tpu.wait_indirect_dma semaphore(%arg25 : memref<!tpu.dma_semaphore, #tpu.memory_space<semaphore_mem>>) src(%arg16 : memref<512xf32, #tpu.memory_space<vmem>>) dst(%dma_wait3A_235 : memref<10240xf32, #tpu.memory_space<vmem_shared>>)
    }
    %barrier3A_24 = arith.constant 0 : index
    tpu.barrier barrier_id(%barrier3A_24)
    %add3A_25 = arith.constant 0 : i32
    %add3A_26 = arith.addi %mul3A_2, %add3A_25 : i32
    %add3A_27 = arith.constant 0 : i32
    %add3A_28 = arith.addi %mul3A_2, %add3A_27 : i32
    "tpu.region"() ({
      %run_scoped3A = tpu.sem_alloc : memref<!tpu.dma_semaphore, #tpu.memory_space<semaphore_mem>>
      %dma_start3A = arith.constant 0 : i32
      %dma_start3A_45 = tpu.memref_slice %arg8[%arg0, %add3A_28, %dma_start3A] : memref<2x10240x128xf32, #tpu.memory_space<hbm>> -> memref<1x128x128xf32, #tpu.memory_space<hbm>>
      %dma_start3A_46 = tpu.memref_squeeze %dma_start3A_45 : memref<1x128x128xf32, #tpu.memory_space<hbm>> -> memref<128x128xf32, #tpu.memory_space<hbm>>
      %dma_start3A_47 = arith.constant 0 : i32
      %dma_start3A_48 = tpu.memref_slice %arg18[%add3A_26, %dma_start3A_47] : memref<10240x128xf32, #tpu.memory_space<vmem_shared>> -> memref<128x128xf32, #tpu.memory_space<vmem_shared>>
      tpu.enqueue_dma source(%dma_start3A_48 : memref<128x128xf32, #tpu.memory_space<vmem_shared>>) target(%dma_start3A_46 : memref<128x128xf32, #tpu.memory_space<hbm>>) target_semaphore(%run_scoped3A : memref<!tpu.dma_semaphore, #tpu.memory_space<semaphore_mem>>)
      %dma_wait3A = arith.constant 0 : i32
      %dma_wait3A_49 = tpu.memref_slice %arg8[%arg0, %add3A_28, %dma_wait3A] : memref<2x10240x128xf32, #tpu.memory_space<hbm>> -> memref<1x128x128xf32, #tpu.memory_space<hbm>>
      %dma_wait3A_50 = tpu.memref_squeeze %dma_wait3A_49 : memref<1x128x128xf32, #tpu.memory_space<hbm>> -> memref<128x128xf32, #tpu.memory_space<hbm>>
      %dma_wait3A_51 = arith.constant 0 : i32
      %dma_wait3A_52 = tpu.memref_slice %arg18[%add3A_26, %dma_wait3A_51] : memref<10240x128xf32, #tpu.memory_space<vmem_shared>> -> memref<128x128xf32, #tpu.memory_space<vmem_shared>>
      tpu.wait_dma2 semaphore(%run_scoped3A : memref<!tpu.dma_semaphore, #tpu.memory_space<semaphore_mem>>) src(%dma_wait3A_52 : memref<128x128xf32, #tpu.memory_space<vmem_shared>>) dst(%dma_wait3A_50 : memref<128x128xf32, #tpu.memory_space<hbm>>)
      tpu.yield
    }) : () -> ()
    %add3A_29 = arith.constant 128 : i32
    %add3A_30 = arith.addi %mul3A_2, %add3A_29 : i32
    %add3A_31 = arith.constant 128 : i32
    %add3A_32 = arith.addi %mul3A_2, %add3A_31 : i32
    "tpu.region"() ({
      %run_scoped3A = tpu.sem_alloc : memref<!tpu.dma_semaphore, #tpu.memory_space<semaphore_mem>>
      %dma_start3A = arith.constant 0 : i32
      %dma_start3A_45 = tpu.memref_slice %arg8[%arg0, %add3A_32, %dma_start3A] : memref<2x10240x128xf32, #tpu.memory_space<hbm>> -> memref<1x128x128xf32, #tpu.memory_space<hbm>>
      %dma_start3A_46 = tpu.memref_squeeze %dma_start3A_45 : memref<1x128x128xf32, #tpu.memory_space<hbm>> -> memref<128x128xf32, #tpu.memory_space<hbm>>
      %dma_start3A_47 = arith.constant 0 : i32
      %dma_start3A_48 = tpu.memref_slice %arg18[%add3A_30, %dma_start3A_47] : memref<10240x128xf32, #tpu.memory_space<vmem_shared>> -> memref<128x128xf32, #tpu.memory_space<vmem_shared>>
      tpu.enqueue_dma source(%dma_start3A_48 : memref<128x128xf32, #tpu.memory_space<vmem_shared>>) target(%dma_start3A_46 : memref<128x128xf32, #tpu.memory_space<hbm>>) target_semaphore(%run_scoped3A : memref<!tpu.dma_semaphore, #tpu.memory_space<semaphore_mem>>)
      %dma_wait3A = arith.constant 0 : i32
      %dma_wait3A_49 = tpu.memref_slice %arg8[%arg0, %add3A_32, %dma_wait3A] : memref<2x10240x128xf32, #tpu.memory_space<hbm>> -> memref<1x128x128xf32, #tpu.memory_space<hbm>>
      %dma_wait3A_50 = tpu.memref_squeeze %dma_wait3A_49 : memref<1x128x128xf32, #tpu.memory_space<hbm>> -> memref<128x128xf32, #tpu.memory_space<hbm>>
      %dma_wait3A_51 = arith.constant 0 : i32
      %dma_wait3A_52 = tpu.memref_slice %arg18[%add3A_30, %dma_wait3A_51] : memref<10240x128xf32, #tpu.memory_space<vmem_shared>> -> memref<128x128xf32, #tpu.memory_space<vmem_shared>>
      tpu.wait_dma2 semaphore(%run_scoped3A : memref<!tpu.dma_semaphore, #tpu.memory_space<semaphore_mem>>) src(%dma_wait3A_52 : memref<128x128xf32, #tpu.memory_space<vmem_shared>>) dst(%dma_wait3A_50 : memref<128x128xf32, #tpu.memory_space<hbm>>)
      tpu.yield
    }) : () -> ()
    %add3A_33 = arith.constant 256 : i32
    %add3A_34 = arith.addi %mul3A_2, %add3A_33 : i32
    %add3A_35 = arith.constant 256 : i32
    %add3A_36 = arith.addi %mul3A_2, %add3A_35 : i32
    "tpu.region"() ({
      %run_scoped3A = tpu.sem_alloc : memref<!tpu.dma_semaphore, #tpu.memory_space<semaphore_mem>>
      %dma_start3A = arith.constant 0 : i32
      %dma_start3A_45 = tpu.memref_slice %arg8[%arg0, %add3A_36, %dma_start3A] : memref<2x10240x128xf32, #tpu.memory_space<hbm>> -> memref<1x128x128xf32, #tpu.memory_space<hbm>>
      %dma_start3A_46 = tpu.memref_squeeze %dma_start3A_45 : memref<1x128x128xf32, #tpu.memory_space<hbm>> -> memref<128x128xf32, #tpu.memory_space<hbm>>
      %dma_start3A_47 = arith.constant 0 : i32
      %dma_start3A_48 = tpu.memref_slice %arg18[%add3A_34, %dma_start3A_47] : memref<10240x128xf32, #tpu.memory_space<vmem_shared>> -> memref<128x128xf32, #tpu.memory_space<vmem_shared>>
      tpu.enqueue_dma source(%dma_start3A_48 : memref<128x128xf32, #tpu.memory_space<vmem_shared>>) target(%dma_start3A_46 : memref<128x128xf32, #tpu.memory_space<hbm>>) target_semaphore(%run_scoped3A : memref<!tpu.dma_semaphore, #tpu.memory_space<semaphore_mem>>)
      %dma_wait3A = arith.constant 0 : i32
      %dma_wait3A_49 = tpu.memref_slice %arg8[%arg0, %add3A_36, %dma_wait3A] : memref<2x10240x128xf32, #tpu.memory_space<hbm>> -> memref<1x128x128xf32, #tpu.memory_space<hbm>>
      %dma_wait3A_50 = tpu.memref_squeeze %dma_wait3A_49 : memref<1x128x128xf32, #tpu.memory_space<hbm>> -> memref<128x128xf32, #tpu.memory_space<hbm>>
      %dma_wait3A_51 = arith.constant 0 : i32
      %dma_wait3A_52 = tpu.memref_slice %arg18[%add3A_34, %dma_wait3A_51] : memref<10240x128xf32, #tpu.memory_space<vmem_shared>> -> memref<128x128xf32, #tpu.memory_space<vmem_shared>>
      tpu.wait_dma2 semaphore(%run_scoped3A : memref<!tpu.dma_semaphore, #tpu.memory_space<semaphore_mem>>) src(%dma_wait3A_52 : memref<128x128xf32, #tpu.memory_space<vmem_shared>>) dst(%dma_wait3A_50 : memref<128x128xf32, #tpu.memory_space<hbm>>)
      tpu.yield
    }) : () -> ()
    %add3A_37 = arith.constant 384 : i32
    %add3A_38 = arith.addi %mul3A_2, %add3A_37 : i32
    %add3A_39 = arith.constant 384 : i32
    %add3A_40 = arith.addi %mul3A_2, %add3A_39 : i32
    "tpu.region"() ({
      %run_scoped3A = tpu.sem_alloc : memref<!tpu.dma_semaphore, #tpu.memory_space<semaphore_mem>>
      %dma_start3A = arith.constant 0 : i32
      %dma_start3A_45 = tpu.memref_slice %arg8[%arg0, %add3A_40, %dma_start3A] : memref<2x10240x128xf32, #tpu.memory_space<hbm>> -> memref<1x128x128xf32, #tpu.memory_space<hbm>>
      %dma_start3A_46 = tpu.memref_squeeze %dma_start3A_45 : memref<1x128x128xf32, #tpu.memory_space<hbm>> -> memref<128x128xf32, #tpu.memory_space<hbm>>
      %dma_start3A_47 = arith.constant 0 : i32
      %dma_start3A_48 = tpu.memref_slice %arg18[%add3A_38, %dma_start3A_47] : memref<10240x128xf32, #tpu.memory_space<vmem_shared>> -> memref<128x128xf32, #tpu.memory_space<vmem_shared>>
      tpu.enqueue_dma source(%dma_start3A_48 : memref<128x128xf32, #tpu.memory_space<vmem_shared>>) target(%dma_start3A_46 : memref<128x128xf32, #tpu.memory_space<hbm>>) target_semaphore(%run_scoped3A : memref<!tpu.dma_semaphore, #tpu.memory_space<semaphore_mem>>)
      %dma_wait3A = arith.constant 0 : i32
      %dma_wait3A_49 = tpu.memref_slice %arg8[%arg0, %add3A_40, %dma_wait3A] : memref<2x10240x128xf32, #tpu.memory_space<hbm>> -> memref<1x128x128xf32, #tpu.memory_space<hbm>>
      %dma_wait3A_50 = tpu.memref_squeeze %dma_wait3A_49 : memref<1x128x128xf32, #tpu.memory_space<hbm>> -> memref<128x128xf32, #tpu.memory_space<hbm>>
      %dma_wait3A_51 = arith.constant 0 : i32
      %dma_wait3A_52 = tpu.memref_slice %arg18[%add3A_38, %dma_wait3A_51] : memref<10240x128xf32, #tpu.memory_space<vmem_shared>> -> memref<128x128xf32, #tpu.memory_space<vmem_shared>>
      tpu.wait_dma2 semaphore(%run_scoped3A : memref<!tpu.dma_semaphore, #tpu.memory_space<semaphore_mem>>) src(%dma_wait3A_52 : memref<128x128xf32, #tpu.memory_space<vmem_shared>>) dst(%dma_wait3A_50 : memref<128x128xf32, #tpu.memory_space<hbm>>)
      tpu.yield
    }) : () -> ()
    %add3A_41 = arith.constant 512 : i32
    %add3A_42 = arith.addi %mul3A_2, %add3A_41 : i32
    %add3A_43 = arith.constant 512 : i32
    %add3A_44 = arith.addi %mul3A_2, %add3A_43 : i32
    "tpu.region"() ({
      %run_scoped3A = tpu.sem_alloc : memref<!tpu.dma_semaphore, #tpu.memory_space<semaphore_mem>>
      %dma_start3A = arith.constant 0 : i32
      %dma_start3A_45 = tpu.memref_slice %arg8[%arg0, %add3A_44, %dma_start3A] : memref<2x10240x128xf32, #tpu.memory_space<hbm>> -> memref<1x128x128xf32, #tpu.memory_space<hbm>>
      %dma_start3A_46 = tpu.memref_squeeze %dma_start3A_45 : memref<1x128x128xf32, #tpu.memory_space<hbm>> -> memref<128x128xf32, #tpu.memory_space<hbm>>
      %dma_start3A_47 = arith.constant 0 : i32
      %dma_start3A_48 = tpu.memref_slice %arg18[%add3A_42, %dma_start3A_47] : memref<10240x128xf32, #tpu.memory_space<vmem_shared>> -> memref<128x128xf32, #tpu.memory_space<vmem_shared>>
      tpu.enqueue_dma source(%dma_start3A_48 : memref<128x128xf32, #tpu.memory_space<vmem_shared>>) target(%dma_start3A_46 : memref<128x128xf32, #tpu.memory_space<hbm>>) target_semaphore(%run_scoped3A : memref<!tpu.dma_semaphore, #tpu.memory_space<semaphore_mem>>)
      %dma_wait3A = arith.constant 0 : i32
      %dma_wait3A_49 = tpu.memref_slice %arg8[%arg0, %add3A_44, %dma_wait3A] : memref<2x10240x128xf32, #tpu.memory_space<hbm>> -> memref<1x128x128xf32, #tpu.memory_space<hbm>>
      %dma_wait3A_50 = tpu.memref_squeeze %dma_wait3A_49 : memref<1x128x128xf32, #tpu.memory_space<hbm>> -> memref<128x128xf32, #tpu.memory_space<hbm>>
      %dma_wait3A_51 = arith.constant 0 : i32
      %dma_wait3A_52 = tpu.memref_slice %arg18[%add3A_42, %dma_wait3A_51] : memref<10240x128xf32, #tpu.memory_space<vmem_shared>> -> memref<128x128xf32, #tpu.memory_space<vmem_shared>>
      tpu.wait_dma2 semaphore(%run_scoped3A : memref<!tpu.dma_semaphore, #tpu.memory_space<semaphore_mem>>) src(%dma_wait3A_52 : memref<128x128xf32, #tpu.memory_space<vmem_shared>>) dst(%dma_wait3A_50 : memref<128x128xf32, #tpu.memory_space<hbm>>)
      tpu.yield
    }) : () -> ()
    "tpu.region"() ({
      %run_scoped3A = tpu.sem_alloc : memref<!tpu.dma_semaphore, #tpu.memory_space<semaphore_mem>>
      %dma_start3A = tpu.memref_slice %arg9[%arg0, %mul3A_2] : memref<2x10240xf32, #tpu.memory_space<hbm>> -> memref<1x640xf32, #tpu.memory_space<hbm>>
      %dma_start3A_45 = tpu.memref_squeeze %dma_start3A : memref<1x640xf32, #tpu.memory_space<hbm>> -> memref<640xf32, #tpu.memory_space<hbm>>
      %dma_start3A_46 = tpu.memref_slice %arg19[%mul3A_2] : memref<10240xf32, #tpu.memory_space<vmem_shared>> -> memref<640xf32, #tpu.memory_space<vmem_shared>>
      tpu.enqueue_dma source(%dma_start3A_46 : memref<640xf32, #tpu.memory_space<vmem_shared>>) target(%dma_start3A_45 : memref<640xf32, #tpu.memory_space<hbm>>) target_semaphore(%run_scoped3A : memref<!tpu.dma_semaphore, #tpu.memory_space<semaphore_mem>>)
      %dma_wait3A = tpu.memref_slice %arg9[%arg0, %mul3A_2] : memref<2x10240xf32, #tpu.memory_space<hbm>> -> memref<1x640xf32, #tpu.memory_space<hbm>>
      %dma_wait3A_47 = tpu.memref_squeeze %dma_wait3A : memref<1x640xf32, #tpu.memory_space<hbm>> -> memref<640xf32, #tpu.memory_space<hbm>>
      %dma_wait3A_48 = tpu.memref_slice %arg19[%mul3A_2] : memref<10240xf32, #tpu.memory_space<vmem_shared>> -> memref<640xf32, #tpu.memory_space<vmem_shared>>
      tpu.wait_dma2 semaphore(%run_scoped3A : memref<!tpu.dma_semaphore, #tpu.memory_space<semaphore_mem>>) src(%dma_wait3A_48 : memref<640xf32, #tpu.memory_space<vmem_shared>>) dst(%dma_wait3A_47 : memref<640xf32, #tpu.memory_space<hbm>>)
      tpu.yield
    }) : () -> ()
    return
  }
}

module attributes {stable_mosaic.version = 14 : i64} {
  func.func @combine(%arg0: i32, %arg1: memref<1x1xf32, #tpu.memory_space<vmem>>, %arg2: memref<512x128xf32, #tpu.memory_space<vmem>>, %arg3: memref<1x512x128xf32, #tpu.memory_space<vmem>>, %arg4: memref<1x512x128xf32, #tpu.memory_space<vmem>>, %arg5: memref<512x128xf32, #tpu.memory_space<vmem>>, %arg6: memref<512x128xf32, #tpu.memory_space<vmem>>) attributes {dimension_semantics = [#tpu.dimension_semantics<arbitrary>], iteration_bounds = array<i64: 20>, scalar_prefetch = 0 : i64, scratch_operands = 0 : i64, tpu.core_type = #tpu.core_type<tc>, window_params = [{pipeline_mode = #tpu.pipeline_mode<synchronous>, transform_indices = @transform_0, window_bounds = array<i64: 1, 1>}, {transform_indices = @transform_1, window_bounds = array<i64: 512, 128>}, {transform_indices = @transform_2, window_bounds = array<i64: 1, 512, 128>}, {transform_indices = @transform_3, window_bounds = array<i64: 1, 512, 128>}, {transform_indices = @transform_4, window_bounds = array<i64: 512, 128>}, {transform_indices = @transform_5, window_bounds = array<i64: 512, 128>}]} {
    %get3A = arith.constant 0 : index
    %get3A_0 = arith.constant 0 : index
    %get3A_1 = vector.load %arg1[%get3A, %get3A_0] : memref<1x1xf32, #tpu.memory_space<vmem>>, vector<1x1xf32>
    %get3A_2 = vector.extract %get3A_1[0, 0] : f32 from vector<1x1xf32>
    %add3A = arith.constant 1.000000e+00 : f32
    %add3A_3 = arith.addf %add3A, %get3A_2 : f32
    %get3A_4 = arith.constant 0 : index
    %get3A_5 = arith.constant 0 : index
    %get3A_6 = vector.load %arg2[%get3A_4, %get3A_5] : memref<512x128xf32, #tpu.memory_space<vmem>>, vector<512x128xf32>
    %mul3A = vector.broadcast %add3A_3 : f32 to vector<512x128xf32>
    %mul3A_7 = arith.mulf %mul3A, %get3A_6 : vector<512x128xf32>
    %get3A_8 = arith.constant 0 : index
    %get3A_9 = arith.constant 0 : index
    %get3A_10 = arith.constant 0 : index
    %get3A_11 = vector.load %arg3[%get3A_8, %get3A_9, %get3A_10] : memref<1x512x128xf32, #tpu.memory_space<vmem>>, vector<1x512x128xf32>
    %get3A_12 = vector.shape_cast %get3A_11 : vector<1x512x128xf32> to vector<512x128xf32>
    %get3A_13 = arith.constant 0 : index
    %get3A_14 = arith.constant 0 : index
    %get3A_15 = arith.constant 0 : index
    %get3A_16 = vector.load %arg4[%get3A_13, %get3A_14, %get3A_15] : memref<1x512x128xf32, #tpu.memory_space<vmem>>, vector<1x512x128xf32>
    %get3A_17 = vector.shape_cast %get3A_16 : vector<1x512x128xf32> to vector<512x128xf32>
    %add3A_18 = arith.addf %get3A_12, %get3A_17 : vector<512x128xf32>
    %get3A_19 = arith.constant 0 : index
    %get3A_20 = arith.constant 0 : index
    %get3A_21 = vector.load %arg5[%get3A_19, %get3A_20] : memref<512x128xf32, #tpu.memory_space<vmem>>, vector<512x128xf32>
    %mul3A_22 = arith.mulf %add3A_18, %get3A_21 : vector<512x128xf32>
    %add3A_23 = arith.addf %mul3A_7, %mul3A_22 : vector<512x128xf32>
    %swap3A = arith.constant 0 : index
    %swap3A_24 = arith.constant 0 : index
    %swap3A_25 = vector.load %arg6[%swap3A, %swap3A_24] : memref<512x128xf32, #tpu.memory_space<vmem>>, vector<512x128xf32>
    tpu.vector_store %arg6[%swap3A, %swap3A_24], %add3A_23 {strides = array<i32>} : memref<512x128xf32, #tpu.memory_space<vmem>>, vector<512x128xf32>,
    return
  }
  func.func @transform_0(%arg0: i32) -> (i32, i32) {
    %c0_i32 = arith.constant 0 : i32
    %c0_i32_0 = arith.constant 0 : i32
    %c0_i32_1 = arith.constant 0 : i32
    return %c0_i32, %c0_i32_0 : i32, i32
  }
  func.func @transform_1(%arg0: i32) -> (i32, i32) {
    %c0_i32 = arith.constant 0 : i32
    %c0_i32_0 = arith.constant 0 : i32
    return %arg0, %c0_i32 : i32, i32
  }
  func.func @transform_2(%arg0: i32) -> (i32, i32, i32) {
    %c0_i32 = arith.constant 0 : i32
    %c0_i32_0 = arith.constant 0 : i32
    %c0_i32_1 = arith.constant 0 : i32
    return %c0_i32, %arg0, %c0_i32_0 : i32, i32, i32
  }
  func.func @transform_3(%arg0: i32) -> (i32, i32, i32) {
    %c1_i32 = arith.constant 1 : i32
    %c0_i32 = arith.constant 0 : i32
    %c0_i32_0 = arith.constant 0 : i32
    return %c1_i32, %arg0, %c0_i32 : i32, i32, i32
  }
  func.func @transform_4(%arg0: i32) -> (i32, i32) {
    %c0_i32 = arith.constant 0 : i32
    %c0_i32_0 = arith.constant 0 : i32
    return %arg0, %c0_i32 : i32, i32
  }
  func.func @transform_5(%arg0: i32) -> (i32, i32) {
    %c0_i32 = arith.constant 0 : i32
    %c0_i32_0 = arith.constant 0 : i32
    return %arg0, %c0_i32 : i32, i32
  }
}

</mosaic_0001>

<sc_bundles>
// kernel: kernel.4.cloned.1.call-start
scs
__scs_entry_jumppad:
0x0: {  	(pc) =	sbr.rel $0x88, $3  }
0x1: {  	(tag) =	ssettag $0x0;
	lr =	simm.s32 $0x1  }
0x2: {  	[smem:$0x3F9E] =	sst lr;
	_ =	strace $0xD0000000  }
0x3: {  	_ = 	snop  }
0x4: {  	_ = 	snop  }
0x5: {  	_ = 	snop  }
0x6: {  	_ = 	snop  }
0x7: {  	_ = 	snop  }
__scs_overlays_trampoline_lowered:
0x8: {  	[smem:$0x3FAD] =	sst s0  }
0x9: {  	[smem:$0x3FAE] =	sst s1  }
0xa: {  	[smem:$0x3FAF] =	sst s2  }
0xb: {  	[smem:$0x3FB0] =	sst s3  }
0xc: {  	[smem:$0x3FB1] =	sst s4  }
0xd: {  	[smem:$0x3FB2] =	sst s5  }
0xe: {  	[smem:$0x3FB3] =	sst s6  }
0xf: {  	[smem:$0x3FB4] =	sst s7  }
0x10: {  	[smem:$0x3FB5] =	sst s8  }
0x11: {  	[smem:$0x3FB6] =	sst s9;
	s0 =	simm.s32 @!p0 $0x0  }
0x12: {  	s1 =	sld [smem:$0x3F9C];
	s0 =	simm.s32 @p0 $0x1  }
0x13: {  	[smem:$0x3FB7] =	sst s0;
	s0 =	simm.s32 @!p1 $0x0  }
0x14: {  	s2 =	sld [smem:$0x3F9B];
	s0 =	simm.s32 @p1 $0x1  }
0x15: {  	[smem:$0x3FB8] =	sst s0;
	s0 =	simm.s32 @!p2 $0x0  }
0x16: {  	s3 =	sld [smem:$0x3FDB];
	s0 =	simm.s32 @p2 $0x1  }
0x17: {  	s4 =	simm.s32 $0x1BF5;
	[smem:$0x3FBA] =	sst s0  }
0x18: {  	s0 =	sld [smem:$0x3F9D];
	_ =	swait.ge [sflag:s4], $0x0  }
0x19: {  	s7 =	sld [smem:$0x3F9E]  }
0x1a: {  	s8 =	sadd.s32 $0xFFFFE003, lr  }
0x1b: {  	s9 =	sadd.s32 $0xFFFFFEF7, lr;
	s5 =	simm.s32 $0xFFFFFFFF;
	p2 =	slt.u32 s8, $0xFFFFF086  }
0x1c: {  	p1 =	slt.u32 s9, $0xF7A;
	s5 =	simm.s32 @!p2 $0x0  }
0x1d: {  	s5 =	simm.s32 @p1 $0x1;
	p0 =	seq.s32 s7, s2  }
0x1e: {  	s7 =	smul.u32 @!p0 $0xF7A, s2;
	p2 =	seq.s32 @!p0 s5, $0x0  }
0x1f: {  	s9 =	smul.u32 $0xF7A, s1;
	s8 =	simm.s32 @!p0 $0x1BF5;
	p2 =	por !p2, p0  }
0x20: {  	[sflag:s8] =	ssyncset.s32 @!p0 $0xFFFFF086;
	s6 =	sadd.s32 @!p0 s3, s7;
	s7 =	simm.s32 @!p0 $0x108  }
0x21: {  	s3 =	sadd.s32 s3, s9;
	s6 =	sadd.s32 @!p0 $0x88, s6;
	s7 =	simm.s32 @p2 $0x1082  }
0x22: {  	[simem:s7], [sflag:s8] =	dma.local @!p0 [hbm:s6], $0xF7A  }
0x23: {  	s9 =	sor.u32 $0xD0000000, s2;
	s6 =	simm.s32 $0x108;
	_ =	swait.ge @!p0 [sflag:s8], $0x0  }
0x24: {  	s3 =	sadd.s32 $0x88, s3;
	s6 =	simm.s32 @!p1 $0x1082;
	[sflag:s4] =	ssyncset.s32 $0xFFFFF086  }
0x25: {  	[simem:s6], [sflag:s4] =	dma.local [hbm:s3], $0xF7A  }
0x26: {  	[smem:$0x3F9E] =	sst s1;
	(tag) =	ssettag s2;
	_ =	strace s9  }
0x27: {  	s1 =	sld [smem:$0x3FAE]  }
0x28: {  	s2 =	sld [smem:$0x3FAF]  }
0x29: {  	s4 =	sld [smem:$0x3FB1]  }
0x2a: {  	p0 =	seq.s32 s5, $0x0;
	s5 =	sld [smem:$0x3FB2]  }
0x2b: {  	s6 =	sld [smem:$0x3FB3]  }
0x2c: {  	s7 =	sld [smem:$0x3FB4]  }
0x2d: {  	s3 =	simm.s32 $0x108;
	s8 =	sld [smem:$0x3FB5]  }
0x2e: {  	s3 =	simm.s32 @!p0 $0x1082;
	s9 =	sld [smem:$0x3FB6]  }
0x2f: {  	lr =	sadd.s32 s0, s3;
	s0 =	sld [smem:$0x3FAD]  }
0x30: {  	s3 =	sld [smem:$0x3FB0]  }
0x31: {  	[smem:$0x3FB9] =	sst s10  }
0x32: {  	s10 =	sld [smem:$0x3FB7];
	_ =	sdelay $0x3  }
0x33: {  	p0 =	seq.s32 s10, $0x1;
	s10 =	sld [smem:$0x3FB9];
	_ =	sdelay $0x3  }
0x34: {  	[smem:$0x3FB9] =	sst s10  }
0x35: {  	s10 =	sld [smem:$0x3FB8];
	_ =	sdelay $0x3  }
0x36: {  	p1 =	seq.s32 s10, $0x1;
	s10 =	sld [smem:$0x3FB9];
	_ =	sdelay $0x3  }
0x37: {  	[smem:$0x3FB9] =	sst s10  }
0x38: {  	s10 =	sld [smem:$0x3FBA]  }
0x39: {  	_ = 	snop;
	(pc) =	sbr.ind lr, $3  }
0x3a: {  	_ = 	snop  }
0x3b: {  	_ = 	snop  }
0x3c: {  	p2 =	seq.s32 s10, $0x1;
	s10 =	sld [smem:$0x3FB9]  }
0x3d: {  	_ =	shalt  }
0x3e: {  	_ =	shalt  }
0x3f: {  	_ =	shalt  }
0x40: {  	_ =	shalt  }
0x41: {  	_ =	shalt  }
0x42: {  	_ =	shalt  }
0x43: {  	_ =	shalt  }
0x44: {  	_ =	shalt  }
0x45: {  	_ =	shalt  }
0x46: {  	_ =	shalt  }
0x47: {  	_ =	shalt  }
0x48: {  	_ =	shalt  }
0x49: {  	_ =	shalt  }
0x4a: {  	_ =	shalt  }
0x4b: {  	_ =	shalt  }
0x4c: {  	_ =	shalt  }
0x4d: {  	_ =	shalt  }
0x4e: {  	_ =	shalt  }
0x4f: {  	_ =	shalt  }
0x50: {  	_ =	shalt  }
0x51: {  	_ =	shalt  }
0x52: {  	_ =	shalt  }
0x53: {  	_ =	shalt  }
0x54: {  	_ =	shalt  }
0x55: {  	_ =	shalt  }
0x56: {  	_ =	shalt  }
0x57: {  	_ =	shalt  }
0x58: {  	_ =	shalt  }
0x59: {  	_ =	shalt  }
0x5a: {  	_ =	shalt  }
0x5b: {  	_ =	shalt  }
0x5c: {  	_ =	shalt  }
0x5d: {  	_ =	shalt  }
0x5e: {  	_ =	shalt  }
0x5f: {  	_ =	shalt  }
0x60: {  	_ =	shalt  }
0x61: {  	_ =	shalt  }
0x62: {  	_ =	shalt  }
0x63: {  	_ =	shalt  }
0x64: {  	_ =	shalt  }
0x65: {  	_ =	shalt  }
0x66: {  	_ =	shalt  }
0x67: {  	_ =	shalt  }
0x68: {  	_ =	shalt  }
0x69: {  	_ =	shalt  }
0x6a: {  	_ =	shalt  }
0x6b: {  	_ =	shalt  }
0x6c: {  	_ =	shalt  }
0x6d: {  	_ =	shalt  }
0x6e: {  	_ =	shalt  }
0x6f: {  	_ =	shalt  }
0x70: {  	_ =	shalt  }
0x71: {  	_ =	shalt  }
0x72: {  	_ =	shalt  }
0x73: {  	_ =	shalt  }
0x74: {  	_ =	shalt  }
0x75: {  	_ =	shalt  }
0x76: {  	_ =	shalt  }
0x77: {  	_ =	shalt  }
0x78: {  	_ =	shalt  }
0x79: {  	_ =	shalt  }
0x7a: {  	_ =	shalt  }
0x7b: {  	_ =	shalt  }
0x7c: {  	_ =	shalt  }
0x7d: {  	_ =	shalt  }
0x7e: {  	_ =	shalt  }
0x7f: {  	_ =	shalt  }
0x80: {  	_ =	shalt  }
0x81: {  	_ =	shalt  }
0x82: {  	_ =	shalt  }
0x83: {  	_ =	shalt  }
0x84: {  	_ =	shalt  }
0x85: {  	_ =	shalt  }
0x86: {  	_ =	shalt  }
0x87: {  	_ =	shalt  }
.Lfunc_end0:
.L_simem_size_0:
called_computation_lowered:
.L_overlay_start_0:
0x88: {  	s2 =	sld [smem:$0x3FD9]  }
0x89: {  	s3 =	sld [smem:$0x3FFE];
	_ =	sdelay $0x1  }
0x8a: {  	s1 =	srdreg.scid  }
0x8b: {  	s0 =	sand.u32 $0x1, s1  }
0x8c: {  	s17 =	sshll.u32 s0, $0xA;
	s2 =	sadd.s32 s3, s2  }
0x8d: {  	s2 =	sadd.s32 s2, s17  }
0x8e: {  	[smem:$0x3FC5] =	sst s2  }
0x8f: {  	_ = 	snop  }
0x90: {  	s2 =	sld [smem:$0x3FD0];
	(tm) =	ssettm $0x1  }
0x91: {  	s18 =	sld [smem:$0x3FFB];
	_ =	sdelay $0x3  }
0x92: {  	_ =	strace s18  }
0x93: {  	s3 =	sld [smem:$0x3FFC];
	_ =	sdelay $0x3  }
0x94: {  	_ =	strace s3  }
0x95: {  	s3 =	sld [smem:$0x3FFD];
	_ =	sdelay $0x3  }
0x96: {  	_ =	strace s3  }
0x97: {  	_ =	strace $0x8FFFFFFF  }
0x98: {  	s19 =	sld [smem:$0x3FDB];
	_ =	sdelay $0x1  }
0x99: {  	s4 =	simm.s32 $_scs_section_size  }
0x9a: {  	s5 =	simm.s32 $_size__tile_overlayer_lowered;
	s6 =	simm.s32 $_tile_overlayer_lowered  }
0x9b: {  	s22 =	simm.s32 $0x1BFF;
	s21 =	sshll.u32 s6, $0x1;
	s3 =	sadd.s32 s4, s19  }
0x9c: {  	s7 =	simm.s32 $0x0;
	s20 =	sshll.u32 s5, $0x1;
	s5 =	sadd.s32 s21, s3  }
0x9d: {  	[timem:s7], [sflag:s22] =	dma.local [hbm:s5], s20  }
0x9e: {  	_ =	swait.ge [sflag:s22], s20  }
0x9f: {  	s4 =	ssub.s32 $0x0, s20;
	[sflag:s22] =	ssyncset.done $0x0  }
0xa0: {  	[sflag:s22] =	ssyncadd.s32 s4;
	_ =	sdelay $0x1  }
0xa1: {  	s23 =	simm.s32 $0x1B8B  }
0xa2: {  	_ =	swait.ge [sflag:s23], $0x1  }
0xa3: {  	[sflag:s23] =	ssyncset.done $0x0  }
0xa4: {  	s25 =	simm.s32 $0x1B8E;
	s24 =	sld [smem:$0x3FFE];
	[sflag:s23] =	ssyncadd.s32 $0xFFFFFFFF  }
0xa5: {  	s26 =	simm.s32 $execute0_lowered;
	[smem:$0x3FD2] =	sst s25  }
0xa6: {  	s5 =	sshll.u32 s26, $0x1;
	_ =	strace $0x80000046;
	[dreg:$0x1] =	wrdreg $0xFFFFFFFF  }
0xa7: {  	s28 =	simm.s32 $_size_execute0_lowered;
	s3 =	sadd.s32 s3, s5;
	[dreg:$0x0] =	wrdreg $0x0  }
0xa8: {  	s5 =	sshll.u32 s28, $0x1;
	[dreg:$0x2] =	wrdreg s3  }
0xa9: {  	[dreg:$0x3] =	wrdreg s5  }
0xaa: {  	[dreg:$0x4] =	wrdreg $0xC0  }
0xab: {  	_ =	task [dreg:s7], $0x5FFFF  }
0xac: {  	[dreg:$0x1] =	wrdreg $0xFFFFFFFF  }
0xad: {  	[dreg:$0x0] =	wrdreg $0x60  }
0xae: {  	[dreg:$0x2] =	wrdreg s24  }
0xaf: {  	[dreg:$0x3] =	wrdreg s2  }
0xb0: {  	[dreg:$0x4] =	wrdreg $0x8C800  }
0xb1: {  	[dreg:$0x5] =	wrdreg $0x1CC800  }
0xb2: {  	[dreg:$0x6] =	wrdreg $0x9  }
0xb3: {  	_ =	task.clear_ibuf [dreg:s7], $0x7FFFF;
	_ =	strace $0x90000046  }
0xb4: {  	s29 =	simm.s32 $0x9;
	_ =	strace $0x80000048  }
0xb5: {  	_ =	swait.ge [sflag:s29], $0x1  }
0xb6: {  	[sflag:s29] =	ssyncadd.s32 $0xFFFFFFFF  }
0xb7: {  	_ =	strace $0x90000048  }
0xb8: {  	_ =	sfence  }
0xb9: {  	s30 =	sld [smem:$0x0];
	_ =	sdelay $0x2  }
0xba: {  	s31 =	sshll.u32 s1, $0xD;
	s1 =	sshrl.u32 s1, $0x2  }
0xbb: {  	s3 =	sand.u32 $0x4000, s31;
	s1 =	sadd.s32 s1, s30  }
0xbc: {  	s0 =	sor.u32 s3, s0;
	s1 =	sshll.u32 s1, $0x11  }
0xbd: {  	s0 =	sor.u32 s1, s0  }
0xbe: {  	s0 =	sadd.s32 $0x8F2B, s0  }
0xbf: {  	[sflag:s0] =	ssyncadd.remote.s32 $0x1  }
0xc0: {  	_ =	sfence.sel $0xFFFF  }
0xc1: {  	[dreg:$0x0] =	wrdreg $0xFFFFFFFF;
	(pc) =	sbr.abs _section_cstart, $3  }
0xc2: {  	[dreg:$0x1] =	wrdreg $0xFFFFFFFF  }
0xc3: {  	_ =	task.clear_ibuf [dreg:s7], $0x2FFFF;
	_ =	strace $0x9FFFFFFF  }
0xc4: {  	(tm) =	ssettm $0x7FFFFFFF  }
0xc5: {  	_ =	shalt  }
tec
execute0_lowered:
.L_overlay_start_1:
0x0: {  	(tag) =	ssettag $0x1  }
0x1: {  	s0 =	rddreg [dreg:$0x0]  }
0x2: {  	s17 =	rddreg [dreg:$0x1]  }
0x3: {  	s2 =	rddreg [dreg:$0x2]  }
0x4: {  	s3 =	rddreg [dreg:$0x3];
	s5 =	simm.s32 $0x0  }
0x5: {  	s1 =	srdreg.scid;
	s21 =	stileid.u32;
	s28 =	simm.s32 $0x800  }
0x6: {  	s29 =	simm.s32 $0x7;
	s30 =	simm.s32 $0x8800;
	s31 =	simm.s32 $0x5  }
0x7: {  	[smem:$0x7FF] =	sst s5;
	s6 =	sadd.s32 $0x1000, s0;
	s1 =	sand.u32 $0x1, s1  }
0x8: {  	s4 =	smul.u32 $0x500, s21;
	s7 =	sadd.s32 $0x29000, s0;
	s16 =	sadd.s32 $0x38400, s0  }
0x9: {  	s8 =	sadd.s32 $0x38000, s0;
	_ =	strace $0x80000047;
	[dreg:$0x16] =	wrdreg s7  }
0xa: {  	s9 =	smul.u32 $0x280, s21;
	s10 =	sadd.s32 $0x39600, s0;
	[dreg:$0xe] =	wrdreg s16  }
0xb: {  	s15 =	smul.u32 $0x14000, s21;
	s18 =	sshll.u32 s1, $0x7;
	[dreg:$0xf] =	wrdreg s8  }
0xc: {  	s19 =	ssub.s32 $0x2, s1;
	s22 =	sshll.u32 s1, $0x4;
	s12 =	smul.u32 $0x140000, s1  }
0xd: {  	p0 =	seq.s32 s1, $0x0;
	s4 =	sor.u32 s18, s4;
	s20 =	sshrl.u32 s19, $0x1  }
0xe: {  	s11 =	sshll.u32 s9, $0x7;
	s8 =	sor.u32 s22, s21;
	s22 =	simm.s32 $0x100  }
0xf: {  	s4 =	sshrl.u32 s4, $0x3;
	s7 =	ssub.s32 s19, s20;
	s13 =	sadd.s32 $0x4000, s11  }
0x10: {  	s14 =	sadd.s32 $0x8000, s11;
	s16 =	sadd.s32 $0xC000, s11;
	s11 =	sadd.s32 $0x10000, s11  }
0x11: {  	s19 =	sshll.u32 s21, $0x7;
	s15 =	sadd.s32 s15, s12;
	s8 =	sshrl.u32 s8, $0x3  }
0x12: {  	[dreg:$0x6] =	wrdreg s22;
	s4 =	sadd.s32 s4, s0;
	s23 =	sand.u32 $0x380, s19  }
0x13: {  	s15 =	sshrl.u32 s15, $0x3;
	s24 =	sadd.s32 s12, s13;
	s20 =	sadd.s32 s12, s14  }
0x14: {  	s18 =	sadd.s32 s12, s16;
	s12 =	sadd.s32 s12, s11;
	s8 =	smul.u32 $0x1E000, s8  }
0x15: {  	s19 =	simm.s32 $0x480;
	s0 =	sadd.s32 $0x38200, s0;
	s16 =	sadd.s32 s16, s2  }
0x16: {  	s15 =	sadd.s32 s10, s15;
	s25 =	sshrl.u32 s24, $0x3;
	[dreg:$0x5] =	wrdreg s19  }
0x17: {  	s26 =	sshrl.u32 s20, $0x3;
	s20 =	smov.u32 s17;
	[dreg:$0x15] =	wrdreg s0  }
0x18: {  	s12 =	sshrl.u32 s12, $0x3;
	s24 =	simm.s32 $0x500;
	[dreg:$0x17] =	wrdreg s16  }
0x19: {  	s19 =	sadd.s32 s11, s2;
	s0 =	simm.s32 $0xF;
	[dreg:$0x10] =	wrdreg s15  }
0x1a: {  	s11 =	simm.s32 $0x1;
	s15 =	sadd.s32 s10, s25;
	[dreg:$0x7] =	wrdreg s24  }
0x1b: {  	s17 =	sadd.s32 s10, s26;
	s1 =	sor.u32 s23, s8;
	[dreg:$0x18] =	wrdreg s19  }
0x1c: {  	s23 =	smul.u32 $0x50000, s21;
	s25 =	simm.s32 $0x180;
	[dreg:$0x11] =	wrdreg s15  }
0x1d: {  	s21 =	sadd.s32 s13, s2;
	s13 =	simm.s32 $0x680;
	[dreg:$0x12] =	wrdreg s17  }
0x1e: {  	s0 =	simm.s32 @!p0 $0x5;
	s24 =	sadd.s32 $0x38C00, s4;
	[dreg:$0x8] =	wrdreg s25  }
0x1f: {  	s4 =	simm.s32 $0x400;
	s8 =	simm.s32 $0x200;
	[dreg:$0xb] =	wrdreg s13  }
0x20: {  	s15 =	sshrl.u32 s18, $0x3;
	s17 =	sadd.s32 s14, s2;
	[dreg:$0x19] =	wrdreg s0  }
0x21: {  	s18 =	simm.s32 $0x700;
	[dreg:$0x1b] =	wrdreg s24;
	s25 =	smax.u32 s7, $0x1  }
0x22: {  	s0 =	simm.s32 $0x80;
	s13 =	simm.s32 $0x3;
	[dreg:$0xd] =	wrdreg s18  }
0x23: {  	s14 =	simm.s32 $0x4;
	s24 =	simm.s32 $0x780;
	[dreg:$0x1c] =	wrdreg s25  }
0x24: {  	s15 =	sadd.s32 s10, s15;
	s10 =	sadd.s32 s10, s12;
	[dreg:$0x1d] =	wrdreg s17  }
0x25: {  	s26 =	sshrl.u32 s23, $0x2;
	s12 =	simm.s32 $0x280;
	[dreg:$0x13] =	wrdreg s15  }
0x26: {  	s23 =	sadd.s32 s9, s3;
	s25 =	sshrl.u32 s1, $0x3;
	[dreg:$0x14] =	wrdreg s10  }
0x27: {  	s9 =	simm.s32 $0x600;
	s18 =	simm.s32 $0x0;
	[dreg:$0xa] =	wrdreg s12  }
0x28: {  	s10 =	simm.s32 $0x580;
	s22 =	sadd.s32 s26, s2;
	[dreg:$0x1a] =	wrdreg s23  }
0x29: {  	s15 =	simm.s32 $0x300;
	s26 =	sor.u32 $0x1000, s1;
	[dreg:$0x9] =	wrdreg s10  }
0x2a: {  	s12 =	simm.s32 $0x2;
	s23 =	simm.s32 $0x380;
	[dreg:$0xc] =	wrdreg s15  }
0x2b: {  	s26 =	sshrl.u32 s26, $0x3;
	s10 =	simm.s32 $0x4800;
	s15 =	simm.s32 $0x6  }
.LBB2_1:
0x2c: {  	s1 =	rddreg [dreg:$0xe]  }
0x2d: {  	[tilespmem:s28], [sflag:$0x7] =	stream.linear.gather [hbm4b:s1+s5], $0x4000, $0x38;
	[tilespmem:$0x1CF00] =	vst v63  }
0x2e: {  	_ =	swait.ge [sflag:s29], $0x4000  }
0x2f: {  	[sflag:s29] =	ssyncset.done $0x0  }
0x30: {  	s16 =	rddreg [dreg:$0xf];
	[sflag:s29] =	ssyncadd.s32 $0xFFFFC000  }
0x31: {  	[tilespmem:s30], [sflag:$0x7] =	stream.linear.gather [hbm4b:s16+s5], $0x200, $0x38;
	[tilespmem:$0x1CF00] =	vst v63  }
0x32: {  	_ =	swait.ge [sflag:s29], $0x200  }
0x33: {  	[sflag:s29] =	ssyncset.done $0x0  }
0x34: {  	s7 =	simm.s32 $0x8A00;
	s1 =	rddreg [dreg:$0x15];
	[sflag:s29] =	ssyncadd.s32 $0xFFFFFE00  }
0x35: {  	[tilespmem:s7], [sflag:$0x7] =	stream.linear.gather [hbm4b:s1+s5], $0x280, $0x38;
	[tilespmem:$0x1CF00] =	vst v63  }
0x36: {  	_ =	swait.ge [sflag:s29], $0x280  }
0x37: {  	[sflag:s29] =	ssyncset.done $0x0  }
0x38: {  	[sflag:s29] =	ssyncadd.s32 $0xFFFFFD80  }
0x39: {  	[spmem:s22] =	stream.linear.scatter [tilespmem:s28], [sflag:$0x7], $0x4000, $0x38;
	[tilespmem:$0x1CF00] =	vst v63  }
0x3a: {  	_ =	swait.ge [sflag:s29], $0x4000  }
0x3b: {  	[sflag:s29] =	ssyncset.done $0x0  }
0x3c: {  	[sflag:s29] =	ssyncadd.s32 $0xFFFFC000  }
0x3d: {  	[spmem:s21] =	stream.linear.scatter [tilespmem:s28], [sflag:$0x7], $0x4000, $0x38;
	[tilespmem:$0x1CF00] =	vst v63  }
0x3e: {  	_ =	swait.ge [sflag:s29], $0x4000  }
0x3f: {  	[sflag:s29] =	ssyncset.done $0x0  }
0x40: {  	[sflag:s29] =	ssyncadd.s32 $0xFFFFC000  }
0x41: {  	[spmem:s17] =	stream.linear.scatter [tilespmem:s28], [sflag:$0x7], $0x4000, $0x38;
	[tilespmem:$0x1CF00] =	vst v63  }
0x42: {  	_ =	swait.ge [sflag:s29], $0x4000  }
0x43: {  	[sflag:s29] =	ssyncset.done $0x0  }
0x44: {  	s16 =	smov.u32 s18;
	s18 =	rddreg [dreg:$0x17];
	[sflag:s29] =	ssyncadd.s32 $0xFFFFC000  }
0x45: {  	[spmem:s18] =	stream.linear.scatter [tilespmem:s28], [sflag:$0x7], $0x4000, $0x38;
	[tilespmem:$0x1CF00] =	vst v63  }
0x46: {  	_ =	swait.ge [sflag:s29], $0x4000  }
0x47: {  	[sflag:s29] =	ssyncset.done $0x0  }
0x48: {  	[sflag:s29] =	ssyncadd.s32 $0xFFFFC000  }
0x49: {  	[spmem:s19] =	stream.linear.scatter [tilespmem:s28], [sflag:$0x7], $0x4000, $0x38;
	[tilespmem:$0x1CF00] =	vst v63  }
0x4a: {  	_ =	swait.ge [sflag:s29], $0x4000  }
0x4b: {  	[sflag:s29] =	ssyncset.done $0x0  }
0x4c: {  	s19 =	rddreg [dreg:$0x1a];
	[sflag:s29] =	ssyncadd.s32 $0xFFFFC000  }
0x4d: {  	[spmem:s19] =	stream.linear.scatter [tilespmem:s7], [sflag:$0x7], $0x280, $0x38;
	[tilespmem:$0x1CF00] =	vst v63  }
0x4e: {  	_ =	swait.ge [sflag:s29], $0x280  }
0x4f: {  	s19 =	rddreg [dreg:$0x19]  }
0x50: {  	p1 =	sne.s32 s19, $0x1  }
.Ltmp0:
0x51: {  	_ = 	snop;
	(pc) =	sbr.rel @!p1 .LBB2_6-.Ltmp0, $4  }
0x52: {  	[sflag:s29] =	ssyncset.done $0x0  }
0x53: {  	[sflag:s29] =	ssyncadd.s32 $0xFFFFFD80  }
0x54: {  	p0 =	por $0x0, $0x0;
	[bflag:$0x0] =	sbarrier.arrive $0xFFFF  }
0x55: {  	s1 =	smov.u32 s20;
	s19 =	sadd.s32 $0xFFFFFFFF, s19;
	s7 =	rddreg [dreg:$0x16]  }
0x56: {  	s7 =	rddreg [dreg:$0x16]  }
0x57: {  	s1 =	sadd.s32 s7, s25  }
0x58: {  	[tilespmem:s5], [sflag:$0x7] =	stream.strided.gather [hbm4b:s1+s0], $0x200, s4, s0, $0x38;
	[tilespmem:$0x1CF00] =	vst v63  }
0x59: {  	_ =	swait.ge [sflag:s29], $0x200  }
0x5a: {  	[sflag:s29] =	ssyncset.done $0x0  }
0x5b: {  	s18 =	smov.u32 s17;
	s17 =	sadd.s32 s20, s25;
	[sflag:s29] =	ssyncadd.s32 $0xFFFFFE00  }
0x5c: {  	[tilespmem:s4], [sflag:$0x7] =	stream.strided.gather [hbm4b:s17+s0], $0x200, s4, s0, $0x38;
	[tilespmem:$0x1CF00] =	vst v63  }
0x5d: {  	_ =	swait.ge [sflag:s29], $0x200  }
0x5e: {  	[sflag:s29] =	ssyncset.done $0x0  }
0x5f: {  	[sflag:s29] =	ssyncadd.s32 $0xFFFFFE00  }
0x60: {  	[spmem:s3] =	stream.indirect.scatter.add.f32 [tilespmem:s30], [sflag:$0x6], $0x1, s4, s8, $0xb8;
	[tilespmem:$0x1CF00] =	vst v63  }
0x61: {  	s17 =	sadd.s32 s7, s26  }
0x62: {  	[tilespmem:s8], [sflag:$0x5] =	stream.strided.gather [hbm4b:s17+s0], $0x200, s4, s0, $0x38;
	[tilespmem:$0x1CF00] =	vst v63  }
0x63: {  	s17 =	sadd.s32 s20, s26  }
0x64: {  	[tilespmem:s9], [sflag:$0x5] =	stream.strided.gather [hbm4b:s17+s0], $0x200, s4, s0, $0x38;
	[tilespmem:$0x1CF00] =	vst v63  }
0x65: {  	_ = 	snop  }
0x66: {  	[tilespmem:s28], [sflag:$0x1] =	stream.indirect.gather [hbm4b:s6+s0], $0x80, s5, s0, $0xb8;
	[tilespmem:$0x1CF00] =	vst v63  }
0x67: {  	_ = 	snop  }
0x68: {  	[tilespmem:s10], [sflag:$0x2] =	stream.indirect.gather [hbm4b:s6+s0], $0x80, s0, s0, $0xb8;
	[tilespmem:$0x1CF00] =	vst v63  }
0x69: {  	_ =	swait.ge [sflag:s11], $0x4000  }
0x6a: {  	[sflag:s11] =	ssyncset.done $0x0  }
0x6b: {  	[sflag:s11] =	ssyncadd.s32 $0xFFFFC000  }
0x6c: {  	[spmem:s2] =	stream.indirect.scatter.add.f32 [tilespmem:s28], [sflag:$0x3], $0x80, s4, s0, $0xb8;
	[tilespmem:$0x1CF00] =	vst v63  }
0x6d: {  	_ =	swait.ge [sflag:s12], $0x4000  }
0x6e: {  	[sflag:s12] =	ssyncset.done $0x0  }
0x6f: {  	s17 =	rddreg [dreg:$0x5];
	[sflag:s12] =	ssyncadd.s32 $0xFFFFC000  }
0x70: {  	[spmem:s2] =	stream.indirect.scatter.add.f32 [tilespmem:s10], [sflag:$0x4], $0x80, s17, s0, $0xb8;
	[tilespmem:$0x1CF00] =	vst v63  }
0x71: {  	_ =	swait.ge [sflag:s13], $0x4000  }
0x72: {  	[sflag:s13] =	ssyncset.done $0x0  }
0x73: {  	s17 =	rddreg [dreg:$0x6];
	[sflag:s13] =	ssyncadd.s32 $0xFFFFC000  }
0x74: {  	[tilespmem:s28], [sflag:$0x1] =	stream.indirect.gather [hbm4b:s6+s0], $0x80, s17, s0, $0xb8;
	[tilespmem:$0x1CF00] =	vst v63  }
0x75: {  	_ =	swait.ge [sflag:s11], $0x4000  }
0x76: {  	[sflag:s11] =	ssyncset.done $0x0  }
0x77: {  	s17 =	rddreg [dreg:$0x7];
	[sflag:s11] =	ssyncadd.s32 $0xFFFFC000  }
0x78: {  	[spmem:s2] =	stream.indirect.scatter.add.f32 [tilespmem:s28], [sflag:$0x3], $0x80, s17, s0, $0xb8;
	[tilespmem:$0x1CF00] =	vst v63  }
0x79: {  	_ =	swait.ge [sflag:s14], $0x4000  }
0x7a: {  	[sflag:s14] =	ssyncset.done $0x0  }
0x7b: {  	s17 =	rddreg [dreg:$0x8];
	[sflag:s14] =	ssyncadd.s32 $0xFFFFC000  }
0x7c: {  	[tilespmem:s10], [sflag:$0x2] =	stream.indirect.gather [hbm4b:s6+s0], $0x80, s17, s0, $0xb8;
	[tilespmem:$0x1CF00] =	vst v63  }
0x7d: {  	_ =	swait.ge [sflag:s12], $0x4000  }
0x7e: {  	[sflag:s12] =	ssyncset.done $0x0  }
0x7f: {  	s17 =	rddreg [dreg:$0x9];
	[sflag:s12] =	ssyncadd.s32 $0xFFFFC000  }
0x80: {  	[spmem:s2] =	stream.indirect.scatter.add.f32 [tilespmem:s10], [sflag:$0x4], $0x80, s17, s0, $0xb8;
	[tilespmem:$0x1CF00] =	vst v63  }
0x81: {  	_ =	swait.ge [sflag:s13], $0x4000  }
0x82: {  	[sflag:s13] =	ssyncset.done $0x0  }
0x83: {  	[sflag:s13] =	ssyncadd.s32 $0xFFFFC000  }
0x84: {  	_ =	swait.ge [sflag:s14], $0x4000  }
0x85: {  	[sflag:s14] =	ssyncset.done $0x0  }
0x86: {  	[sflag:s14] =	ssyncadd.s32 $0xFFFFC000  }
0x87: {  	_ =	swait.ge [sflag:s15], $0x200  }
0x88: {  	[sflag:s15] =	ssyncset.done $0x0  }
0x89: {  	[sflag:s15] =	ssyncadd.s32 $0xFFFFFE00  }
0x8a: {  	_ =	swait.ge [sflag:s31], $0x200  }
0x8b: {  	[sflag:s31] =	ssyncset.done $0x0  }
0x8c: {  	[sflag:s31] =	ssyncadd.s32 $0xFFFFFE00  }
0x8d: {  	_ =	swait.ge [sflag:s31], $0x200  }
0x8e: {  	[sflag:s31] =	ssyncset.done $0x0  }
0x8f: {  	[sflag:s31] =	ssyncadd.s32 $0xFFFFFE00  }
0x90: {  	[spmem:s3] =	stream.indirect.scatter.add.f32 [tilespmem:s30], [sflag:$0x6], $0x1, s9, s8, $0xb8;
	[tilespmem:$0x1CF00] =	vst v63  }
0x91: {  	_ = 	snop  }
0x92: {  	[tilespmem:s28], [sflag:$0x1] =	stream.indirect.gather [hbm4b:s6+s0], $0x80, s8, s0, $0xb8;
	[tilespmem:$0x1CF00] =	vst v63  }
0x93: {  	s17 =	rddreg [dreg:$0xa]  }
0x94: {  	[tilespmem:s10], [sflag:$0x2] =	stream.indirect.gather [hbm4b:s6+s0], $0x80, s17, s0, $0xb8;
	[tilespmem:$0x1CF00] =	vst v63  }
0x95: {  	_ =	swait.ge [sflag:s11], $0x4000  }
0x96: {  	[sflag:s11] =	ssyncset.done $0x0  }
0x97: {  	[sflag:s11] =	ssyncadd.s32 $0xFFFFC000  }
0x98: {  	[spmem:s2] =	stream.indirect.scatter.add.f32 [tilespmem:s28], [sflag:$0x3], $0x80, s9, s0, $0xb8;
	[tilespmem:$0x1CF00] =	vst v63  }
0x99: {  	_ =	swait.ge [sflag:s12], $0x4000  }
0x9a: {  	[sflag:s12] =	ssyncset.done $0x0  }
0x9b: {  	s17 =	rddreg [dreg:$0xb];
	[sflag:s12] =	ssyncadd.s32 $0xFFFFC000  }
0x9c: {  	[spmem:s2] =	stream.indirect.scatter.add.f32 [tilespmem:s10], [sflag:$0x4], $0x80, s17, s0, $0xb8;
	[tilespmem:$0x1CF00] =	vst v63  }
0x9d: {  	_ =	swait.ge [sflag:s13], $0x4000  }
0x9e: {  	[sflag:s13] =	ssyncset.done $0x0  }
0x9f: {  	s17 =	rddreg [dreg:$0xc];
	[sflag:s13] =	ssyncadd.s32 $0xFFFFC000  }
0xa0: {  	[tilespmem:s28], [sflag:$0x1] =	stream.indirect.gather [hbm4b:s6+s0], $0x80, s17, s0, $0xb8;
	[tilespmem:$0x1CF00] =	vst v63  }
0xa1: {  	_ =	swait.ge [sflag:s11], $0x4000  }
0xa2: {  	[sflag:s11] =	ssyncset.done $0x0  }
0xa3: {  	s17 =	rddreg [dreg:$0xd];
	[sflag:s11] =	ssyncadd.s32 $0xFFFFC000  }
0xa4: {  	[spmem:s2] =	stream.indirect.scatter.add.f32 [tilespmem:s28], [sflag:$0x3], $0x80, s17, s0, $0xb8;
	[tilespmem:$0x1CF00] =	vst v63  }
0xa5: {  	_ =	swait.ge [sflag:s14], $0x4000  }
0xa6: {  	[sflag:s14] =	ssyncset.done $0x0  }
0xa7: {  	[sflag:s14] =	ssyncadd.s32 $0xFFFFC000  }
0xa8: {  	[tilespmem:s10], [sflag:$0x2] =	stream.indirect.gather [hbm4b:s6+s0], $0x80, s23, s0, $0xb8;
	[tilespmem:$0x1CF00] =	vst v63  }
0xa9: {  	_ =	swait.ge [sflag:s12], $0x4000  }
0xaa: {  	[sflag:s12] =	ssyncset.done $0x0  }
0xab: {  	[sflag:s12] =	ssyncadd.s32 $0xFFFFC000  }
0xac: {  	[spmem:s2] =	stream.indirect.scatter.add.f32 [tilespmem:s10], [sflag:$0x4], $0x80, s24, s0, $0xb8;
	[tilespmem:$0x1CF00] =	vst v63  }
0xad: {  	_ =	swait.ge [sflag:s13], $0x4000  }
0xae: {  	[sflag:s13] =	ssyncset.done $0x0  }
0xaf: {  	p1 =	sne.s32 s19, $0x1;
	[sflag:s13] =	ssyncadd.s32 $0xFFFFC000  }
.Ltmp1:
0xb0: {  	_ =	swait.ge [sflag:s14], $0x4000;
	(pc) =	sbr.rel @!p1 .LBB2_3-.Ltmp1, $4  }
0xb1: {  	[sflag:s14] =	ssyncset.done $0x0  }
0xb2: {  	s19 =	sadd.s32 $0xFFFFFFFF, s19;
	[sflag:s14] =	ssyncadd.s32 $0xFFFFC000  }
0xb3: {  	p0 =	por $0x1, $0x1;
	s1 =	smov.u32 s20;
	_ =	swait.ge [sflag:s15], $0x200  }
0xb4: {  	s7 =	sadd.s32 $0x400, s7;
	s17 =	smov.u32 s20;
	[sflag:s15] =	ssyncset.done $0x0  }
.LBB2_4:
0xb5: {  	s20 =	sadd.s32 s7, s25;
	[sflag:s15] =	ssyncadd.s32 $0xFFFFFE00  }
0xb6: {  	[tilespmem:s5], [sflag:$0x7] =	stream.strided.gather [hbm4b:s20+s0], $0x200, s4, s0, $0x38;
	[tilespmem:$0x1CF00] =	vst v63  }
0xb7: {  	_ =	swait.ge [sflag:s29], $0x200  }
0xb8: {  	s1 =	sadd.s32 $0x400, s1;
	[sflag:s29] =	ssyncset.done $0x0  }
0xb9: {  	s20 =	sadd.s32 s1, s25;
	[sflag:s29] =	ssyncadd.s32 $0xFFFFFE00  }
0xba: {  	[tilespmem:s4], [sflag:$0x7] =	stream.strided.gather [hbm4b:s20+s0], $0x200, s4, s0, $0x38;
	[tilespmem:$0x1CF00] =	vst v63  }
0xbb: {  	_ =	swait.ge [sflag:s29], $0x200  }
0xbc: {  	[sflag:s29] =	ssyncset.done $0x0  }
0xbd: {  	[sflag:s29] =	ssyncadd.s32 $0xFFFFFE00  }
0xbe: {  	[spmem:s3] =	stream.indirect.scatter.add.f32 [tilespmem:s30], [sflag:$0x6], $0x1, s4, s8, $0xb8;
	[tilespmem:$0x1CF00] =	vst v63  }
0xbf: {  	s20 =	sadd.s32 s7, s26  }
0xc0: {  	[tilespmem:s8], [sflag:$0x5] =	stream.strided.gather [hbm4b:s20+s0], $0x200, s4, s0, $0x38;
	[tilespmem:$0x1CF00] =	vst v63  }
0xc1: {  	s20 =	sadd.s32 s1, s26  }
0xc2: {  	[tilespmem:s9], [sflag:$0x5] =	stream.strided.gather [hbm4b:s20+s0], $0x200, s4, s0, $0x38;
	[tilespmem:$0x1CF00] =	vst v63  }
0xc3: {  	_ = 	snop  }
0xc4: {  	[tilespmem:s28], [sflag:$0x1] =	stream.indirect.gather [hbm4b:s6+s0], $0x80, s5, s0, $0xb8;
	[tilespmem:$0x1CF00] =	vst v63  }
0xc5: {  	_ = 	snop  }
0xc6: {  	[tilespmem:s10], [sflag:$0x2] =	stream.indirect.gather [hbm4b:s6+s0], $0x80, s0, s0, $0xb8;
	[tilespmem:$0x1CF00] =	vst v63  }
0xc7: {  	_ =	swait.ge [sflag:s11], $0x4000  }
0xc8: {  	[sflag:s11] =	ssyncset.done $0x0  }
0xc9: {  	[sflag:s11] =	ssyncadd.s32 $0xFFFFC000  }
0xca: {  	[spmem:s2] =	stream.indirect.scatter.add.f32 [tilespmem:s28], [sflag:$0x3], $0x80, s4, s0, $0xb8;
	[tilespmem:$0x1CF00] =	vst v63  }
0xcb: {  	_ =	swait.ge [sflag:s12], $0x4000  }
0xcc: {  	[sflag:s12] =	ssyncset.done $0x0  }
0xcd: {  	s20 =	rddreg [dreg:$0x5];
	[sflag:s12] =	ssyncadd.s32 $0xFFFFC000  }
0xce: {  	[spmem:s2] =	stream.indirect.scatter.add.f32 [tilespmem:s10], [sflag:$0x4], $0x80, s20, s0, $0xb8;
	[tilespmem:$0x1CF00] =	vst v63  }
0xcf: {  	_ =	swait.ge [sflag:s13], $0x4000  }
0xd0: {  	[sflag:s13] =	ssyncset.done $0x0  }
0xd1: {  	s20 =	rddreg [dreg:$0x6];
	[sflag:s13] =	ssyncadd.s32 $0xFFFFC000  }
0xd2: {  	[tilespmem:s28], [sflag:$0x1] =	stream.indirect.gather [hbm4b:s6+s0], $0x80, s20, s0, $0xb8;
	[tilespmem:$0x1CF00] =	vst v63  }
0xd3: {  	_ =	swait.ge [sflag:s11], $0x4000  }
0xd4: {  	[sflag:s11] =	ssyncset.done $0x0  }
0xd5: {  	s20 =	rddreg [dreg:$0x7];
	[sflag:s11] =	ssyncadd.s32 $0xFFFFC000  }
0xd6: {  	[spmem:s2] =	stream.indirect.scatter.add.f32 [tilespmem:s28], [sflag:$0x3], $0x80, s20, s0, $0xb8;
	[tilespmem:$0x1CF00] =	vst v63  }
0xd7: {  	_ =	swait.ge [sflag:s14], $0x4000  }
0xd8: {  	[sflag:s14] =	ssyncset.done $0x0  }
0xd9: {  	s20 =	rddreg [dreg:$0x8];
	[sflag:s14] =	ssyncadd.s32 $0xFFFFC000  }
0xda: {  	[tilespmem:s10], [sflag:$0x2] =	stream.indirect.gather [hbm4b:s6+s0], $0x80, s20, s0, $0xb8;
	[tilespmem:$0x1CF00] =	vst v63  }
0xdb: {  	_ =	swait.ge [sflag:s12], $0x4000  }
0xdc: {  	[sflag:s12] =	ssyncset.done $0x0  }
0xdd: {  	s20 =	rddreg [dreg:$0x9];
	[sflag:s12] =	ssyncadd.s32 $0xFFFFC000  }
0xde: {  	[spmem:s2] =	stream.indirect.scatter.add.f32 [tilespmem:s10], [sflag:$0x4], $0x80, s20, s0, $0xb8;
	[tilespmem:$0x1CF00] =	vst v63  }
0xdf: {  	_ =	swait.ge [sflag:s13], $0x4000  }
0xe0: {  	[sflag:s13] =	ssyncset.done $0x0  }
0xe1: {  	[sflag:s13] =	ssyncadd.s32 $0xFFFFC000  }
0xe2: {  	_ =	swait.ge [sflag:s14], $0x4000  }
0xe3: {  	[sflag:s14] =	ssyncset.done $0x0  }
0xe4: {  	[sflag:s14] =	ssyncadd.s32 $0xFFFFC000  }
0xe5: {  	_ =	swait.ge [sflag:s15], $0x200  }
0xe6: {  	[sflag:s15] =	ssyncset.done $0x0  }
0xe7: {  	[sflag:s15] =	ssyncadd.s32 $0xFFFFFE00  }
0xe8: {  	_ =	swait.ge [sflag:s31], $0x200  }
0xe9: {  	[sflag:s31] =	ssyncset.done $0x0  }
0xea: {  	[sflag:s31] =	ssyncadd.s32 $0xFFFFFE00  }
0xeb: {  	_ =	swait.ge [sflag:s31], $0x200  }
0xec: {  	[sflag:s31] =	ssyncset.done $0x0  }
0xed: {  	[sflag:s31] =	ssyncadd.s32 $0xFFFFFE00  }
0xee: {  	[spmem:s3] =	stream.indirect.scatter.add.f32 [tilespmem:s30], [sflag:$0x6], $0x1, s9, s8, $0xb8;
	[tilespmem:$0x1CF00] =	vst v63  }
0xef: {  	_ = 	snop  }
0xf0: {  	[tilespmem:s28], [sflag:$0x1] =	stream.indirect.gather [hbm4b:s6+s0], $0x80, s8, s0, $0xb8;
	[tilespmem:$0x1CF00] =	vst v63  }
0xf1: {  	s20 =	rddreg [dreg:$0xa]  }
0xf2: {  	[tilespmem:s10], [sflag:$0x2] =	stream.indirect.gather [hbm4b:s6+s0], $0x80, s20, s0, $0xb8;
	[tilespmem:$0x1CF00] =	vst v63  }
0xf3: {  	_ =	swait.ge [sflag:s11], $0x4000  }
0xf4: {  	[sflag:s11] =	ssyncset.done $0x0  }
0xf5: {  	[sflag:s11] =	ssyncadd.s32 $0xFFFFC000  }
0xf6: {  	[spmem:s2] =	stream.indirect.scatter.add.f32 [tilespmem:s28], [sflag:$0x3], $0x80, s9, s0, $0xb8;
	[tilespmem:$0x1CF00] =	vst v63  }
0xf7: {  	_ =	swait.ge [sflag:s12], $0x4000  }
0xf8: {  	[sflag:s12] =	ssyncset.done $0x0  }
0xf9: {  	s20 =	rddreg [dreg:$0xb];
	[sflag:s12] =	ssyncadd.s32 $0xFFFFC000  }
0xfa: {  	[spmem:s2] =	stream.indirect.scatter.add.f32 [tilespmem:s10], [sflag:$0x4], $0x80, s20, s0, $0xb8;
	[tilespmem:$0x1CF00] =	vst v63  }
0xfb: {  	_ =	swait.ge [sflag:s13], $0x4000  }
0xfc: {  	[sflag:s13] =	ssyncset.done $0x0  }
0xfd: {  	s20 =	rddreg [dreg:$0xc];
	[sflag:s13] =	ssyncadd.s32 $0xFFFFC000  }
0xfe: {  	[tilespmem:s28], [sflag:$0x1] =	stream.indirect.gather [hbm4b:s6+s0], $0x80, s20, s0, $0xb8;
	[tilespmem:$0x1CF00] =	vst v63  }
0xff: {  	_ =	swait.ge [sflag:s11], $0x4000  }
0x100: {  	[sflag:s11] =	ssyncset.done $0x0  }
0x101: {  	s20 =	rddreg [dreg:$0xd];
	[sflag:s11] =	ssyncadd.s32 $0xFFFFC000  }
0x102: {  	[spmem:s2] =	stream.indirect.scatter.add.f32 [tilespmem:s28], [sflag:$0x3], $0x80, s20, s0, $0xb8;
	[tilespmem:$0x1CF00] =	vst v63  }
0x103: {  	_ =	swait.ge [sflag:s14], $0x4000  }
0x104: {  	[sflag:s14] =	ssyncset.done $0x0  }
0x105: {  	[sflag:s14] =	ssyncadd.s32 $0xFFFFC000  }
0x106: {  	[tilespmem:s10], [sflag:$0x2] =	stream.indirect.gather [hbm4b:s6+s0], $0x80, s23, s0, $0xb8;
	[tilespmem:$0x1CF00] =	vst v63  }
0x107: {  	_ =	swait.ge [sflag:s12], $0x4000  }
0x108: {  	[sflag:s12] =	ssyncset.done $0x0  }
0x109: {  	[sflag:s12] =	ssyncadd.s32 $0xFFFFC000  }
0x10a: {  	[spmem:s2] =	stream.indirect.scatter.add.f32 [tilespmem:s10], [sflag:$0x4], $0x80, s24, s0, $0xb8;
	[tilespmem:$0x1CF00] =	vst v63  }
0x10b: {  	_ =	swait.ge [sflag:s13], $0x4000  }
0x10c: {  	[sflag:s13] =	ssyncset.done $0x0  }
0x10d: {  	p1 =	sne.s32 s19, $0x1;
	[sflag:s13] =	ssyncadd.s32 $0xFFFFC000  }
.Ltmp2:
0x10e: {  	_ =	swait.ge [sflag:s14], $0x4000;
	(pc) =	sbr.rel @p1 .LBB2_4-.Ltmp2, $4  }
0x10f: {  	[sflag:s14] =	ssyncset.done $0x0  }
0x110: {  	[sflag:s14] =	ssyncadd.s32 $0xFFFFC000  }
0x111: {  	_ =	swait.ge [sflag:s15], $0x200  }
0x112: {  	s19 =	sadd.s32 $0xFFFFFFFF, s19;
	s7 =	sadd.s32 $0x400, s7;
	[sflag:s15] =	ssyncset.done $0x0  }
0x113: {  	s20 =	smov.u32 s17;
	s17 =	smov.u32 s18;
	s18 =	rddreg [dreg:$0x17]  }
.LBB2_6:
0x114: {  	s19 =	sadd.s32 s7, s25;
	[sflag:s15] =	ssyncadd.s32 @p0 $0xFFFFFE00  }
0x115: {  	[tilespmem:s5], [sflag:$0x7] =	stream.strided.gather [hbm4b:s19+s0], $0x200, s4, s0, $0x38;
	[tilespmem:$0x1CF00] =	vst v63  }
0x116: {  	s1 =	sadd.s32 @p0 $0x400, s1;
	s19 =	smov.u32 s20;
	_ =	swait.ge [sflag:s29], $0x200  }
0x117: {  	s19 =	smov.u32 @p0 s1;
	[sflag:s29] =	ssyncset.done $0x0  }
0x118: {  	s1 =	sadd.s32 s19, s25;
	[sflag:s29] =	ssyncadd.s32 $0xFFFFFE00  }
0x119: {  	[tilespmem:s4], [sflag:$0x7] =	stream.strided.gather [hbm4b:s1+s0], $0x200, s4, s0, $0x38;
	[tilespmem:$0x1CF00] =	vst v63  }
0x11a: {  	_ =	swait.ge [sflag:s29], $0x200  }
0x11b: {  	[sflag:s29] =	ssyncset.done $0x0  }
0x11c: {  	[sflag:s29] =	ssyncadd.s32 $0xFFFFFE00  }
0x11d: {  	[spmem:s3] =	stream.indirect.scatter.add.f32 [tilespmem:s30], [sflag:$0x6], $0x1, s4, s8, $0xb8;
	[tilespmem:$0x1CF00] =	vst v63  }
0x11e: {  	s7 =	sadd.s32 s7, s26  }
0x11f: {  	[tilespmem:s8], [sflag:$0x5] =	stream.strided.gather [hbm4b:s7+s0], $0x200, s4, s0, $0x38;
	[tilespmem:$0x1CF00] =	vst v63  }
0x120: {  	s7 =	sadd.s32 s19, s26  }
0x121: {  	[tilespmem:s9], [sflag:$0x5] =	stream.strided.gather [hbm4b:s7+s0], $0x200, s4, s0, $0x38;
	[tilespmem:$0x1CF00] =	vst v63  }
0x122: {  	_ = 	snop  }
0x123: {  	[tilespmem:s28], [sflag:$0x1] =	stream.indirect.gather [hbm4b:s6+s0], $0x80, s5, s0, $0xb8;
	[tilespmem:$0x1CF00] =	vst v63  }
0x124: {  	_ = 	snop  }
0x125: {  	[tilespmem:s10], [sflag:$0x2] =	stream.indirect.gather [hbm4b:s6+s0], $0x80, s0, s0, $0xb8;
	[tilespmem:$0x1CF00] =	vst v63  }
0x126: {  	_ =	swait.ge [sflag:s11], $0x4000  }
0x127: {  	[sflag:s11] =	ssyncset.done $0x0  }
0x128: {  	[sflag:s11] =	ssyncadd.s32 $0xFFFFC000  }
0x129: {  	[spmem:s2] =	stream.indirect.scatter.add.f32 [tilespmem:s28], [sflag:$0x3], $0x80, s4, s0, $0xb8;
	[tilespmem:$0x1CF00] =	vst v63  }
0x12a: {  	_ =	swait.ge [sflag:s12], $0x4000  }
0x12b: {  	[sflag:s12] =	ssyncset.done $0x0  }
0x12c: {  	s19 =	rddreg [dreg:$0x5];
	[sflag:s12] =	ssyncadd.s32 $0xFFFFC000  }
0x12d: {  	[spmem:s2] =	stream.indirect.scatter.add.f32 [tilespmem:s10], [sflag:$0x4], $0x80, s19, s0, $0xb8;
	[tilespmem:$0x1CF00] =	vst v63  }
0x12e: {  	_ =	swait.ge [sflag:s13], $0x4000  }
0x12f: {  	[sflag:s13] =	ssyncset.done $0x0  }
0x130: {  	s7 =	rddreg [dreg:$0x6];
	[sflag:s13] =	ssyncadd.s32 $0xFFFFC000  }
0x131: {  	[tilespmem:s28], [sflag:$0x1] =	stream.indirect.gather [hbm4b:s6+s0], $0x80, s7, s0, $0xb8;
	[tilespmem:$0x1CF00] =	vst v63  }
0x132: {  	_ =	swait.ge [sflag:s11], $0x4000  }
0x133: {  	[sflag:s11] =	ssyncset.done $0x0  }
0x134: {  	s19 =	rddreg [dreg:$0x7];
	[sflag:s11] =	ssyncadd.s32 $0xFFFFC000  }
0x135: {  	[spmem:s2] =	stream.indirect.scatter.add.f32 [tilespmem:s28], [sflag:$0x3], $0x80, s19, s0, $0xb8;
	[tilespmem:$0x1CF00] =	vst v63  }
0x136: {  	_ =	swait.ge [sflag:s14], $0x4000  }
0x137: {  	[sflag:s14] =	ssyncset.done $0x0  }
0x138: {  	s7 =	rddreg [dreg:$0x8];
	[sflag:s14] =	ssyncadd.s32 $0xFFFFC000  }
0x139: {  	[tilespmem:s10], [sflag:$0x2] =	stream.indirect.gather [hbm4b:s6+s0], $0x80, s7, s0, $0xb8;
	[tilespmem:$0x1CF00] =	vst v63  }
0x13a: {  	_ =	swait.ge [sflag:s12], $0x4000  }
0x13b: {  	[sflag:s12] =	ssyncset.done $0x0  }
0x13c: {  	s19 =	rddreg [dreg:$0x9];
	[sflag:s12] =	ssyncadd.s32 $0xFFFFC000  }
0x13d: {  	[spmem:s2] =	stream.indirect.scatter.add.f32 [tilespmem:s10], [sflag:$0x4], $0x80, s19, s0, $0xb8;
	[tilespmem:$0x1CF00] =	vst v63  }
0x13e: {  	_ =	swait.ge [sflag:s13], $0x4000  }
0x13f: {  	[sflag:s13] =	ssyncset.done $0x0  }
0x140: {  	[sflag:s13] =	ssyncadd.s32 $0xFFFFC000  }
0x141: {  	_ =	swait.ge [sflag:s14], $0x4000  }
0x142: {  	[sflag:s14] =	ssyncset.done $0x0  }
0x143: {  	[sflag:s14] =	ssyncadd.s32 $0xFFFFC000  }
0x144: {  	_ =	swait.ge [sflag:s15], $0x200  }
0x145: {  	[sflag:s15] =	ssyncset.done $0x0  }
0x146: {  	[sflag:s15] =	ssyncadd.s32 $0xFFFFFE00  }
0x147: {  	_ =	swait.ge [sflag:s31], $0x200  }
0x148: {  	[sflag:s31] =	ssyncset.done $0x0  }
0x149: {  	[sflag:s31] =	ssyncadd.s32 $0xFFFFFE00  }
0x14a: {  	_ =	swait.ge [sflag:s31], $0x200  }
0x14b: {  	[sflag:s31] =	ssyncset.done $0x0  }
0x14c: {  	[sflag:s31] =	ssyncadd.s32 $0xFFFFFE00  }
0x14d: {  	[spmem:s3] =	stream.indirect.scatter.add.f32 [tilespmem:s30], [sflag:$0x6], $0x1, s9, s8, $0xb8;
	[tilespmem:$0x1CF00] =	vst v63  }
0x14e: {  	_ = 	snop  }
0x14f: {  	[tilespmem:s28], [sflag:$0x1] =	stream.indirect.gather [hbm4b:s6+s0], $0x80, s8, s0, $0xb8;
	[tilespmem:$0x1CF00] =	vst v63  }
0x150: {  	s7 =	rddreg [dreg:$0xa]  }
0x151: {  	[tilespmem:s10], [sflag:$0x2] =	stream.indirect.gather [hbm4b:s6+s0], $0x80, s7, s0, $0xb8;
	[tilespmem:$0x1CF00] =	vst v63  }
0x152: {  	_ =	swait.ge [sflag:s11], $0x4000  }
0x153: {  	[sflag:s11] =	ssyncset.done $0x0  }
0x154: {  	[sflag:s11] =	ssyncadd.s32 $0xFFFFC000  }
0x155: {  	[spmem:s2] =	stream.indirect.scatter.add.f32 [tilespmem:s28], [sflag:$0x3], $0x80, s9, s0, $0xb8;
	[tilespmem:$0x1CF00] =	vst v63  }
0x156: {  	_ =	swait.ge [sflag:s12], $0x4000  }
0x157: {  	[sflag:s12] =	ssyncset.done $0x0  }
0x158: {  	s19 =	rddreg [dreg:$0xb];
	[sflag:s12] =	ssyncadd.s32 $0xFFFFC000  }
0x159: {  	[spmem:s2] =	stream.indirect.scatter.add.f32 [tilespmem:s10], [sflag:$0x4], $0x80, s19, s0, $0xb8;
	[tilespmem:$0x1CF00] =	vst v63  }
0x15a: {  	_ =	swait.ge [sflag:s13], $0x4000  }
0x15b: {  	[sflag:s13] =	ssyncset.done $0x0  }
0x15c: {  	s7 =	rddreg [dreg:$0xc];
	[sflag:s13] =	ssyncadd.s32 $0xFFFFC000  }
0x15d: {  	[tilespmem:s28], [sflag:$0x1] =	stream.indirect.gather [hbm4b:s6+s0], $0x80, s7, s0, $0xb8;
	[tilespmem:$0x1CF00] =	vst v63  }
0x15e: {  	_ =	swait.ge [sflag:s11], $0x4000  }
0x15f: {  	[sflag:s11] =	ssyncset.done $0x0  }
0x160: {  	s19 =	rddreg [dreg:$0xd];
	[sflag:s11] =	ssyncadd.s32 $0xFFFFC000  }
0x161: {  	[spmem:s2] =	stream.indirect.scatter.add.f32 [tilespmem:s28], [sflag:$0x3], $0x80, s19, s0, $0xb8;
	[tilespmem:$0x1CF00] =	vst v63  }
0x162: {  	_ =	swait.ge [sflag:s14], $0x4000  }
0x163: {  	[sflag:s14] =	ssyncset.done $0x0  }
0x164: {  	[sflag:s14] =	ssyncadd.s32 $0xFFFFC000  }
0x165: {  	[tilespmem:s10], [sflag:$0x2] =	stream.indirect.gather [hbm4b:s6+s0], $0x80, s23, s0, $0xb8;
	[tilespmem:$0x1CF00] =	vst v63  }
0x166: {  	_ =	swait.ge [sflag:s12], $0x4000  }
0x167: {  	[sflag:s12] =	ssyncset.done $0x0  }
0x168: {  	[sflag:s12] =	ssyncadd.s32 $0xFFFFC000  }
0x169: {  	[spmem:s2] =	stream.indirect.scatter.add.f32 [tilespmem:s10], [sflag:$0x4], $0x80, s24, s0, $0xb8;
	[tilespmem:$0x1CF00] =	vst v63  }
0x16a: {  	_ =	swait.ge [sflag:s13], $0x4000  }
0x16b: {  	[sflag:s13] =	ssyncset.done $0x0  }
0x16c: {  	[sflag:s13] =	ssyncadd.s32 $0xFFFFC000  }
0x16d: {  	_ =	swait.ge [sflag:s14], $0x4000  }
0x16e: {  	[sflag:s14] =	ssyncset.done $0x0  }
0x16f: {  	[sflag:s14] =	ssyncadd.s32 $0xFFFFC000  }
0x170: {  	_ =	swait.ge [sflag:s15], $0x200  }
0x171: {  	[sflag:s15] =	ssyncset.done $0x0  }
0x172: {  	s7 =	stileid.u32;
	[sflag:s15] =	ssyncadd.s32 $0xFFFFFE00  }
0x173: {  	s1 =	sshll.u32 s7, $0x6;
	[bflag:$0x0] =	sbarrier.arrive $0xFFFF  }
0x174: {  	s7 =	sshrl.u32 s22, $0x3;
	s1 =	sor.u32 $0x1C07, s1;
	s19 =	rddreg [dreg:$0x10]  }
0x175: {  	[hbm:s19], [sflag:s1] =	dma.local [spmem:s7], $0x800  }
0x176: {  	_ =	swait.ge [sflag:s29], $0x800  }
0x177: {  	[sflag:s29] =	ssyncset.done $0x0  }
0x178: {  	s7 =	sshrl.u32 s21, $0x3;
	s19 =	rddreg [dreg:$0x11];
	[sflag:s29] =	ssyncadd.s32 $0xFFFFF800  }
0x179: {  	[hbm:s19], [sflag:s1] =	dma.local [spmem:s7], $0x800  }
0x17a: {  	_ =	swait.ge [sflag:s29], $0x800  }
0x17b: {  	[sflag:s29] =	ssyncset.done $0x0  }
0x17c: {  	s19 =	sshrl.u32 s17, $0x3;
	s17 =	rddreg [dreg:$0x12];
	[sflag:s29] =	ssyncadd.s32 $0xFFFFF800  }
0x17d: {  	[hbm:s17], [sflag:s1] =	dma.local [spmem:s19], $0x800  }
0x17e: {  	_ =	swait.ge [sflag:s29], $0x800  }
0x17f: {  	[sflag:s29] =	ssyncset.done $0x0  }
0x180: {  	s17 =	sshrl.u32 s18, $0x3;
	s18 =	rddreg [dreg:$0x13];
	[sflag:s29] =	ssyncadd.s32 $0xFFFFF800  }
0x181: {  	[hbm:s18], [sflag:s1] =	dma.local [spmem:s17], $0x800  }
0x182: {  	_ =	swait.ge [sflag:s29], $0x800  }
0x183: {  	s18 =	smov.u32 s16;
	[sflag:s29] =	ssyncset.done $0x0;
	s16 =	rddreg [dreg:$0x18]  }
0x184: {  	s17 =	rddreg [dreg:$0x14];
	[sflag:s29] =	ssyncadd.s32 $0xFFFFF800;
	s7 =	sshrl.u32 s16, $0x3  }
0x185: {  	[hbm:s17], [sflag:s1] =	dma.local [spmem:s7], $0x800  }
0x186: {  	s16 =	smov.u32 s21;
	_ =	swait.ge [sflag:s29], $0x800  }
0x187: {  	s21 =	simm.s32 $0x10;
	[sflag:s29] =	ssyncset.done $0x0;
	s19 =	rddreg [dreg:$0x1a]  }
0x188: {  	s17 =	rddreg [dreg:$0x1b];
	[sflag:s29] =	ssyncadd.s32 $0xFFFFF800;
	s7 =	sshrl.u32 s19, $0x3  }
0x189: {  	s19 =	smov.u32 s20;
	s20 =	smov.u32 s22;
	s22 =	simm.s32 $0x20  }
0x18a: {  	[hbm:s17@s22], [sflag:s1] =	dma.strided [spmem:s7@s21], $0x50, s11, $0x10   }
0x18b: {  	s22 =	smov.u32 s20;
	s17 =	rddreg [dreg:$0x1d]  }
0x18c: {  	s20 =	smov.u32 s19;
	s19 =	rddreg [dreg:$0x18];
	_ =	swait.ge [sflag:s29], $0x50  }
0x18d: {  	s18 =	sadd.s32 $0x1, s18;
	s21 =	smov.u32 s16;
	s16 =	rddreg [dreg:$0x1c]  }
0x18e: {  	p0 =	sne.s32 s18, s16  }
.Ltmp3:
0x18f: {  	_ = 	snop;
	(pc) =	sbr.rel @p0 .LBB2_1-.Ltmp3, $4  }
.Ltmp4:
0x190: {  	_ = 	snop;
	(pc) =	sbr.rel @!p0 .LBB2_7-.Ltmp4, $4  }
0x191: {  	_ = 	snop  }
0x192: {  	[sflag:s29] =	ssyncset.done $0x0  }
0x193: {  	[sflag:s29] =	ssyncadd.s32 $0xFFFFFFB0  }
0x194: {  	_ = 	snop  }
.LBB2_3:
.Ltmp5:
0x195: {  	(pc) =	sbr.rel .LBB2_6-.Ltmp5, $3  }
0x196: {  	_ =	sdelay $0x1  }
0x197: {  	s20 =	smov.u32 s17  }
0x198: {  	s1 =	smov.u32 s17;
	s17 =	smov.u32 s18;
	s18 =	rddreg [dreg:$0x17]  }
.LBB2_7:
0x199: {  	_ =	sfence.sel $0x180000  }
0x19a: {  	[bflag:$0x0] =	sbarrier.arrive $0xFFFF  }
0x19b: {  	_ =	strace $0x90000047  }
0x19c: {  	s0 =	stileid.u32;
	[bflag:$0x2] =	sbarrier.arrive $0xFFFF  }
0x19d: {  	p0 =	sne.s32 s0, $0x0;
	s0 =	rddreg [dreg:$0x4]  }
0x19e: {  	s0 =	sadd.s32 @!p0 $0x100000, s0  }
0x19f: {  	[sflag:s0] =	ssyncadd.tile.s32 @!p0 $0x1;
	_ =	shalt  }
.Lfunc_end2:
_tile_overlayer_lowered:
.L_overlay_start_2:
0x1a0: {  	(tag) =	ssettag $0x2  }
0x1a1: {  	s0 =	rddreg [dreg:$0x0];
	s2 =	stileid.u32  }
0x1a2: {  	s1 =	rddreg [dreg:$0x1];
	p0 =	sne.s32 s2, $0x0  }
0x1a3: {  	s3 =	rddreg [dreg:$0x2];
	[bflag:$0x3] =	sbarrier.arrive $0xFFFF;
	s2 =	simm.s32 @!p0 $0x1C07  }
0x1a4: {  	[timem:s3], [sflag:s2] =	dma.local @!p0 [hbm:s0], s1  }
0x1a5: {  	s0 =	simm.s32 @!p0 $0x7  }
0x1a6: {  	_ =	swait.ge @!p0 [sflag:s0], s1  }
0x1a7: {  	s1 =	ssub.s32 @!p0 $0x0, s1;
	[sflag:s0] =	ssyncset.done @!p0 $0x0  }
0x1a8: {  	[sflag:s0] =	ssyncadd.s32 @!p0 s1  }
0x1a9: {  	[bflag:$0x3] =	sbarrier.arrive $0xFFFF  }
0x1aa: {  	_ =	shalt  }

</sc_bundles>
